<compile_context>
chip_gen: v7x
topology: tpu7x:2x2x1
jax: 0.10.2.dev20260603
libtpu: 0.0.44.dev20260713+nightly
codegen_flags: <defaults>
</compile_context>

<pallas_src>
import functools

import jax
import jax.numpy as jnp
from jax import lax
from jax.experimental import pallas as pl
from jax.experimental.pallas import tpu as pltpu
from jax.experimental.pallas import tpu_sc as plsc

B = 16384
K = 128
NC = 2
NS = 16
NW = NC * NS
RPW = B // NW
GR = 128
NCH = RPW // GR
MAX_SLIP = 0.4
MAX_GUESS = 0.4
T_INV = 1.0 / 50.0


def _sig(x):
    return 1.0 / (1.0 + jnp.exp(-x))


_mesh = plsc.VectorSubcoreMesh(
    core_axis_name="c", subcore_axis_name="s", num_cores=NC, num_subcores=NS
)


@functools.partial(
    pl.kernel,
    out_type=jax.ShapeDtypeStruct((B,), jnp.float32),
    mesh=_mesh,
    compiler_params=pltpu.CompilerParams(needs_layout_passes=False),
    scratch_types=[
        pltpu.VMEM((NCH, GR), jnp.int32),
        pltpu.VMEM((NCH, GR), jnp.int32),
        pltpu.VMEM((2, GR, K), jnp.float32),
        pltpu.VMEM((2, GR, K), jnp.float32),
        pltpu.VMEM((RPW,), jnp.float32),
        pltpu.VMEM((RPW,), jnp.float32),
        pltpu.VMEM((RPW,), jnp.float32),
        pltpu.SemaphoreType.DMA,
        pltpu.SemaphoreType.DMA,
        pltpu.SemaphoreType.DMA,
    ],
)
def _dina_sc(user_hbm, item_hbm, know_hbm, theta_hbm, slip_hbm, guess_hbm,
             out_hbm, idx_v, item_v, theta_v, know_v, slip_v, guess_v, out_v,
             sem_a, sem_b, sem_sg):
    wid = lax.axis_index("s") * NC + lax.axis_index("c")
    base = wid * RPW
    sems = (sem_a, sem_b)

    pltpu.sync_copy(user_hbm.at[wid], idx_v)
    pltpu.sync_copy(item_hbm.at[wid], item_v)

    sg = []
    for j in range(NCH):
        sg.append(pltpu.async_copy(
            slip_hbm.at[pl.ds(j * GR, GR)], slip_v.at[pl.ds(j * GR, GR)], sem_sg))
        sg.append(pltpu.async_copy(
            guess_hbm.at[pl.ds(j * GR, GR)], guess_v.at[pl.ds(j * GR, GR)], sem_sg))

    def fire(c):
        slot = c % 2
        return (
            pltpu.async_copy(theta_hbm.at[idx_v.at[c]], theta_v.at[slot],
                             sems[slot]),
            pltpu.async_copy(know_hbm.at[pl.ds(base + c * GR, GR)],
                             know_v.at[slot], sems[slot]),
        )

    iota = lax.iota(jnp.int32, 16)
    pending = fire(0)
    for c in range(NCH):
        slot = c % 2
        nxt = fire(c + 1) if c + 1 < NCH else ()
        for d in pending:
            d.wait()
        pending = nxt
        if c == 0:
            for d in sg:
                d.wait()
        th_ref = theta_v.at[slot]
        kn_ref = know_v.at[slot]

        def group_body(g, carry, c=c, th_ref=th_ref, kn_ref=kn_ref):
            rows = g * 16 + iota

            @plsc.parallel_loop(0, K, unroll=8,
                                carry=jnp.zeros((16,), jnp.float32))
            def col_body(k, acc):
                col = jnp.bitwise_and(k + iota, K - 1)
                th = plsc.load_gather(th_ref, [rows, col])
                kn = plsc.load_gather(kn_ref, [rows, col])
                e = jnp.exp(-th)
                return acc + kn * ((1.0 - e) / (1.0 + e))

            n = 0.5 * col_body
            p = _sig(n * T_INV)
            off = c * GR + g * 16
            sl = MAX_SLIP * _sig(slip_v[pl.ds(off, 16)])
            gu = MAX_GUESS * _sig(guess_v[pl.ds(off, 16)])
            out_v[pl.ds(off, 16)] = (1.0 - sl) * p + gu * (1.0 - p)
            return carry

        lax.fori_loop(0, GR // 16, group_body, 0)

    pltpu.sync_copy(out_v, out_hbm.at[pl.ds(base, RPW)])


def kernel(user, item, knowledge, theta_table, slip_table, guess_table):
    user3 = user.reshape(NW, NCH, GR)
    item3 = item.reshape(NW, NCH, GR)
    return _dina_sc(user3, item3, knowledge, theta_table,
                    slip_table.reshape(-1), guess_table.reshape(-1))

# --- scband reference (transcript-rebuilt; emitter-appended) ---
"""Pipeline reference for scband-dina-26912265076829 (READ-ONLY COPY).

The authoritative reference and input builder live on the scoring server;
editing this copy changes nothing except your own understanding.
"""

import jax, jax.numpy as jnp
import numpy as np

STUDENT_N = 1000000
EXER_N = 100000
KNOW_N = 128
BATCH = 16384
MAX_SLIP = 0.4
MAX_GUESS = 0.4


def setup_inputs(seed: int = 0) -> dict:
    key = jax.random.key(seed)
    k1, k2, k3, k4, k5, k6 = jax.random.split(key, 6)
    user = jax.random.randint(k1, (BATCH,), 0, STUDENT_N, dtype=jnp.int64 if jax.config.jax_enable_x64 else jnp.int32).astype(jnp.int32)
    item = jax.random.randint(k2, (BATCH,), 0, EXER_N).astype(jnp.int32)
    knowledge = jax.random.uniform(k3, (BATCH, KNOW_N), dtype=jnp.float32)
    theta_table = jax.random.normal(k4, (STUDENT_N, KNOW_N), dtype=jnp.float32)
    slip_table = jax.random.normal(k5, (EXER_N, 1), dtype=jnp.float32)
    guess_table = jax.random.normal(k6, (EXER_N, 1), dtype=jnp.float32)
    return {"user": user, "item": item, "knowledge": knowledge,
            "theta_table": theta_table, "slip_table": slip_table, "guess_table": guess_table}


def reference(user, item, knowledge, theta_table, slip_table, guess_table):
    # gather embeddings (SparseCore-friendly)
    theta = jnp.take(theta_table, user, axis=0)            # [B, K]
    slip = jnp.squeeze(jax.nn.sigmoid(jnp.take(slip_table, item, axis=0))) * MAX_SLIP   # [B]
    guess = jnp.squeeze(jax.nn.sigmoid(jnp.take(guess_table, item, axis=0))) * MAX_GUESS  # [B]
    n = jnp.sum(knowledge * (jax.nn.sigmoid(theta) - 0.5), axis=1)  # [B]
    # step = 0 (fresh module): t = max((sin(0) + 1) / 2 * 100, 1e-6) = 50.0
    t = max((np.sin(2 * np.pi * 0 / 1000) + 1) / 2 * 100, 1e-06)
    coef = jnp.stack([1.0 - slip, guess]).T                 # [B, 2]
    probs = jax.nn.softmax(jnp.stack([n, jnp.zeros_like(n)]).T / t, axis=-1)  # [B, 2]
    output = jnp.sum(coef * probs, axis=1)                  # [B]
    return output

if __name__ == "__main__":
    import jax
    _d = setup_inputs()
    print(jax.jit(kernel)(*tuple(_d.values())))

</pallas_src>

<mosaic_0001>
#map = affine_map<(d0, d1) -> (0, 0, 0)>
#map1 = affine_map<(d0, d1) -> (0, 0)>
#map2 = affine_map<(d0, d1) -> (0)>
module attributes {stable_mosaic.version = 14 : i64} {
  func.func @_dina_sc(%arg0: i32, %arg1: i32, %arg2: memref<32x4x128xi32, #tpu.memory_space<hbm>>, %arg3: memref<32x4x128xi32, #tpu.memory_space<hbm>>, %arg4: memref<16384x128xf32, #tpu.memory_space<hbm>>, %arg5: memref<1000000x128xf32, #tpu.memory_space<hbm>>, %arg6: memref<100000xf32, #tpu.memory_space<hbm>>, %arg7: memref<100000xf32, #tpu.memory_space<hbm>>, %arg8: memref<16384xf32, #tpu.memory_space<hbm>>, %arg9: memref<4x128xi32, #tpu.memory_space<vmem>>, %arg10: memref<4x128xi32, #tpu.memory_space<vmem>>, %arg11: memref<2x128x128xf32, #tpu.memory_space<vmem>>, %arg12: memref<2x128x128xf32, #tpu.memory_space<vmem>>, %arg13: memref<512xf32, #tpu.memory_space<vmem>>, %arg14: memref<512xf32, #tpu.memory_space<vmem>>, %arg15: memref<512xf32, #tpu.memory_space<vmem>>, %arg16: memref<!tpu.dma_semaphore, #tpu.memory_space<semaphore_mem>>, %arg17: memref<!tpu.dma_semaphore, #tpu.memory_space<semaphore_mem>>, %arg18: memref<!tpu.dma_semaphore, #tpu.memory_space<semaphore_mem>>) attributes {dimension_semantics = [#tpu.dimension_semantics<core_parallel>, #tpu.dimension_semantics<subcore_parallel>], iteration_bounds = array<i64: 2, 16>, scalar_prefetch = 0 : i64, scratch_operands = 10 : i64, tpu.core_type = #tpu.core_type<sc_vector_subcore>, window_params = [{transform_indices = #map}, {transform_indices = #map}, {transform_indices = #map1}, {transform_indices = #map1}, {transform_indices = #map2}, {transform_indices = #map2}, {transform_indices = #map2}]} {
    %mul3A = arith.constant 2 : i32
    %mul3A_0 = arith.muli %arg1, %mul3A : i32
    %add3A = arith.addi %mul3A_0, %arg0 : i32
    %mul3A_1 = arith.constant 512 : i32
    %mul3A_2 = arith.muli %add3A, %mul3A_1 : i32
    "tpu.region"() ({
      %run_scoped3A = tpu.sem_alloc : memref<!tpu.dma_semaphore, #tpu.memory_space<semaphore_mem>>
      %dma_start3A_368 = arith.constant 0 : i32
      %dma_start3A_369 = arith.constant 0 : i32
      %dma_start3A_370 = tpu.memref_slice %arg2[%add3A, %dma_start3A_368, %dma_start3A_369] : memref<32x4x128xi32, #tpu.memory_space<hbm>> -> memref<1x4x128xi32, #tpu.memory_space<hbm>>
      %dma_start3A_371 = tpu.memref_squeeze %dma_start3A_370 : memref<1x4x128xi32, #tpu.memory_space<hbm>> -> memref<4x128xi32, #tpu.memory_space<hbm>>
      %dma_start3A_372 = arith.constant 0 : i32
      %dma_start3A_373 = arith.constant 0 : i32
      %dma_start3A_374 = tpu.memref_slice %arg2[%add3A, %dma_start3A_372, %dma_start3A_373] : memref<32x4x128xi32, #tpu.memory_space<hbm>> -> memref<1x4x128xi32, #tpu.memory_space<hbm>>
      %dma_start3A_375 = tpu.memref_squeeze %dma_start3A_374 : memref<1x4x128xi32, #tpu.memory_space<hbm>> -> memref<4x128xi32, #tpu.memory_space<hbm>>
      tpu.enqueue_dma source(%dma_start3A_375 : memref<4x128xi32, #tpu.memory_space<hbm>>) target(%arg9 : memref<4x128xi32, #tpu.memory_space<vmem>>) target_semaphore(%run_scoped3A : memref<!tpu.dma_semaphore, #tpu.memory_space<semaphore_mem>>)
      %dma_wait3A_376 = arith.constant 0 : i32
      %dma_wait3A_377 = arith.constant 0 : i32
      %dma_wait3A_378 = tpu.memref_slice %arg2[%add3A, %dma_wait3A_376, %dma_wait3A_377] : memref<32x4x128xi32, #tpu.memory_space<hbm>> -> memref<1x4x128xi32, #tpu.memory_space<hbm>>
      %dma_wait3A_379 = tpu.memref_squeeze %dma_wait3A_378 : memref<1x4x128xi32, #tpu.memory_space<hbm>> -> memref<4x128xi32, #tpu.memory_space<hbm>>
      %dma_wait3A_380 = arith.constant 0 : i32
      %dma_wait3A_381 = arith.constant 0 : i32
      %dma_wait3A_382 = tpu.memref_slice %arg2[%add3A, %dma_wait3A_380, %dma_wait3A_381] : memref<32x4x128xi32, #tpu.memory_space<hbm>> -> memref<1x4x128xi32, #tpu.memory_space<hbm>>
      %dma_wait3A_383 = tpu.memref_squeeze %dma_wait3A_382 : memref<1x4x128xi32, #tpu.memory_space<hbm>> -> memref<4x128xi32, #tpu.memory_space<hbm>>
      tpu.wait_dma2 semaphore(%run_scoped3A : memref<!tpu.dma_semaphore, #tpu.memory_space<semaphore_mem>>) src(%dma_wait3A_383 : memref<4x128xi32, #tpu.memory_space<hbm>>) dst(%arg9 : memref<4x128xi32, #tpu.memory_space<vmem>>)
      tpu.yield
    }) : () -> ()
    "tpu.region"() ({
      %run_scoped3A = tpu.sem_alloc : memref<!tpu.dma_semaphore, #tpu.memory_space<semaphore_mem>>
      %dma_start3A_368 = arith.constant 0 : i32
      %dma_start3A_369 = arith.constant 0 : i32
      %dma_start3A_370 = tpu.memref_slice %arg3[%add3A, %dma_start3A_368, %dma_start3A_369] : memref<32x4x128xi32, #tpu.memory_space<hbm>> -> memref<1x4x128xi32, #tpu.memory_space<hbm>>
      %dma_start3A_371 = tpu.memref_squeeze %dma_start3A_370 : memref<1x4x128xi32, #tpu.memory_space<hbm>> -> memref<4x128xi32, #tpu.memory_space<hbm>>
      %dma_start3A_372 = arith.constant 0 : i32
      %dma_start3A_373 = arith.constant 0 : i32
      %dma_start3A_374 = tpu.memref_slice %arg3[%add3A, %dma_start3A_372, %dma_start3A_373] : memref<32x4x128xi32, #tpu.memory_space<hbm>> -> memref<1x4x128xi32, #tpu.memory_space<hbm>>
      %dma_start3A_375 = tpu.memref_squeeze %dma_start3A_374 : memref<1x4x128xi32, #tpu.memory_space<hbm>> -> memref<4x128xi32, #tpu.memory_space<hbm>>
      tpu.enqueue_dma source(%dma_start3A_375 : memref<4x128xi32, #tpu.memory_space<hbm>>) target(%arg10 : memref<4x128xi32, #tpu.memory_space<vmem>>) target_semaphore(%run_scoped3A : memref<!tpu.dma_semaphore, #tpu.memory_space<semaphore_mem>>)
      %dma_wait3A_376 = arith.constant 0 : i32
      %dma_wait3A_377 = arith.constant 0 : i32
      %dma_wait3A_378 = tpu.memref_slice %arg3[%add3A, %dma_wait3A_376, %dma_wait3A_377] : memref<32x4x128xi32, #tpu.memory_space<hbm>> -> memref<1x4x128xi32, #tpu.memory_space<hbm>>
      %dma_wait3A_379 = tpu.memref_squeeze %dma_wait3A_378 : memref<1x4x128xi32, #tpu.memory_space<hbm>> -> memref<4x128xi32, #tpu.memory_space<hbm>>
      %dma_wait3A_380 = arith.constant 0 : i32
      %dma_wait3A_381 = arith.constant 0 : i32
      %dma_wait3A_382 = tpu.memref_slice %arg3[%add3A, %dma_wait3A_380, %dma_wait3A_381] : memref<32x4x128xi32, #tpu.memory_space<hbm>> -> memref<1x4x128xi32, #tpu.memory_space<hbm>>
      %dma_wait3A_383 = tpu.memref_squeeze %dma_wait3A_382 : memref<1x4x128xi32, #tpu.memory_space<hbm>> -> memref<4x128xi32, #tpu.memory_space<hbm>>
      tpu.wait_dma2 semaphore(%run_scoped3A : memref<!tpu.dma_semaphore, #tpu.memory_space<semaphore_mem>>) src(%dma_wait3A_383 : memref<4x128xi32, #tpu.memory_space<hbm>>) dst(%arg10 : memref<4x128xi32, #tpu.memory_space<vmem>>)
      tpu.yield
    }) : () -> ()
    %dma_start3A = arith.constant 0 : i32
    %dma_start3A_3 = tpu.memref_slice %arg13[%dma_start3A] : memref<512xf32, #tpu.memory_space<vmem>> -> memref<128xf32, #tpu.memory_space<vmem>>
    %dma_start3A_4 = arith.constant 0 : i32
    %dma_start3A_5 = tpu.memref_slice %arg6[%dma_start3A_4] : memref<100000xf32, #tpu.memory_space<hbm>> -> memref<128xf32, #tpu.memory_space<hbm>>
    %dma_start3A_6 = arith.constant 0 : i32
    %dma_start3A_7 = tpu.memref_slice %arg13[%dma_start3A_6] : memref<512xf32, #tpu.memory_space<vmem>> -> memref<128xf32, #tpu.memory_space<vmem>>
    %dma_start3A_8 = arith.constant 0 : i32
    %dma_start3A_9 = tpu.memref_slice %arg6[%dma_start3A_8] : memref<100000xf32, #tpu.memory_space<hbm>> -> memref<128xf32, #tpu.memory_space<hbm>>
    tpu.enqueue_dma source(%dma_start3A_9 : memref<128xf32, #tpu.memory_space<hbm>>) target(%dma_start3A_7 : memref<128xf32, #tpu.memory_space<vmem>>) target_semaphore(%arg18 : memref<!tpu.dma_semaphore, #tpu.memory_space<semaphore_mem>>)
    %dma_start3A_10 = arith.constant 0 : i32
    %dma_start3A_11 = tpu.memref_slice %arg14[%dma_start3A_10] : memref<512xf32, #tpu.memory_space<vmem>> -> memref<128xf32, #tpu.memory_space<vmem>>
    %dma_start3A_12 = arith.constant 0 : i32
    %dma_start3A_13 = tpu.memref_slice %arg7[%dma_start3A_12] : memref<100000xf32, #tpu.memory_space<hbm>> -> memref<128xf32, #tpu.memory_space<hbm>>
    %dma_start3A_14 = arith.constant 0 : i32
    %dma_start3A_15 = tpu.memref_slice %arg14[%dma_start3A_14] : memref<512xf32, #tpu.memory_space<vmem>> -> memref<128xf32, #tpu.memory_space<vmem>>
    %dma_start3A_16 = arith.constant 0 : i32
    %dma_start3A_17 = tpu.memref_slice %arg7[%dma_start3A_16] : memref<100000xf32, #tpu.memory_space<hbm>> -> memref<128xf32, #tpu.memory_space<hbm>>
    tpu.enqueue_dma source(%dma_start3A_17 : memref<128xf32, #tpu.memory_space<hbm>>) target(%dma_start3A_15 : memref<128xf32, #tpu.memory_space<vmem>>) target_semaphore(%arg18 : memref<!tpu.dma_semaphore, #tpu.memory_space<semaphore_mem>>)
    %dma_start3A_18 = arith.constant 128 : i32
    %dma_start3A_19 = tpu.memref_slice %arg13[%dma_start3A_18] : memref<512xf32, #tpu.memory_space<vmem>> -> memref<128xf32, #tpu.memory_space<vmem>>
    %dma_start3A_20 = arith.constant 128 : i32
    %dma_start3A_21 = tpu.memref_slice %arg6[%dma_start3A_20] : memref<100000xf32, #tpu.memory_space<hbm>> -> memref<128xf32, #tpu.memory_space<hbm>>
    %dma_start3A_22 = arith.constant 128 : i32
    %dma_start3A_23 = tpu.memref_slice %arg13[%dma_start3A_22] : memref<512xf32, #tpu.memory_space<vmem>> -> memref<128xf32, #tpu.memory_space<vmem>>
    %dma_start3A_24 = arith.constant 128 : i32
    %dma_start3A_25 = tpu.memref_slice %arg6[%dma_start3A_24] : memref<100000xf32, #tpu.memory_space<hbm>> -> memref<128xf32, #tpu.memory_space<hbm>>
    tpu.enqueue_dma source(%dma_start3A_25 : memref<128xf32, #tpu.memory_space<hbm>>) target(%dma_start3A_23 : memref<128xf32, #tpu.memory_space<vmem>>) target_semaphore(%arg18 : memref<!tpu.dma_semaphore, #tpu.memory_space<semaphore_mem>>)
    %dma_start3A_26 = arith.constant 128 : i32
    %dma_start3A_27 = tpu.memref_slice %arg14[%dma_start3A_26] : memref<512xf32, #tpu.memory_space<vmem>> -> memref<128xf32, #tpu.memory_space<vmem>>
    %dma_start3A_28 = arith.constant 128 : i32
    %dma_start3A_29 = tpu.memref_slice %arg7[%dma_start3A_28] : memref<100000xf32, #tpu.memory_space<hbm>> -> memref<128xf32, #tpu.memory_space<hbm>>
    %dma_start3A_30 = arith.constant 128 : i32
    %dma_start3A_31 = tpu.memref_slice %arg14[%dma_start3A_30] : memref<512xf32, #tpu.memory_space<vmem>> -> memref<128xf32, #tpu.memory_space<vmem>>
    %dma_start3A_32 = arith.constant 128 : i32
    %dma_start3A_33 = tpu.memref_slice %arg7[%dma_start3A_32] : memref<100000xf32, #tpu.memory_space<hbm>> -> memref<128xf32, #tpu.memory_space<hbm>>
    tpu.enqueue_dma source(%dma_start3A_33 : memref<128xf32, #tpu.memory_space<hbm>>) target(%dma_start3A_31 : memref<128xf32, #tpu.memory_space<vmem>>) target_semaphore(%arg18 : memref<!tpu.dma_semaphore, #tpu.memory_space<semaphore_mem>>)
    %dma_start3A_34 = arith.constant 256 : i32
    %dma_start3A_35 = tpu.memref_slice %arg13[%dma_start3A_34] : memref<512xf32, #tpu.memory_space<vmem>> -> memref<128xf32, #tpu.memory_space<vmem>>
    %dma_start3A_36 = arith.constant 256 : i32
    %dma_start3A_37 = tpu.memref_slice %arg6[%dma_start3A_36] : memref<100000xf32, #tpu.memory_space<hbm>> -> memref<128xf32, #tpu.memory_space<hbm>>
    %dma_start3A_38 = arith.constant 256 : i32
    %dma_start3A_39 = tpu.memref_slice %arg13[%dma_start3A_38] : memref<512xf32, #tpu.memory_space<vmem>> -> memref<128xf32, #tpu.memory_space<vmem>>
    %dma_start3A_40 = arith.constant 256 : i32
    %dma_start3A_41 = tpu.memref_slice %arg6[%dma_start3A_40] : memref<100000xf32, #tpu.memory_space<hbm>> -> memref<128xf32, #tpu.memory_space<hbm>>
    tpu.enqueue_dma source(%dma_start3A_41 : memref<128xf32, #tpu.memory_space<hbm>>) target(%dma_start3A_39 : memref<128xf32, #tpu.memory_space<vmem>>) target_semaphore(%arg18 : memref<!tpu.dma_semaphore, #tpu.memory_space<semaphore_mem>>)
    %dma_start3A_42 = arith.constant 256 : i32
    %dma_start3A_43 = tpu.memref_slice %arg14[%dma_start3A_42] : memref<512xf32, #tpu.memory_space<vmem>> -> memref<128xf32, #tpu.memory_space<vmem>>
    %dma_start3A_44 = arith.constant 256 : i32
    %dma_start3A_45 = tpu.memref_slice %arg7[%dma_start3A_44] : memref<100000xf32, #tpu.memory_space<hbm>> -> memref<128xf32, #tpu.memory_space<hbm>>
    %dma_start3A_46 = arith.constant 256 : i32
    %dma_start3A_47 = tpu.memref_slice %arg14[%dma_start3A_46] : memref<512xf32, #tpu.memory_space<vmem>> -> memref<128xf32, #tpu.memory_space<vmem>>
    %dma_start3A_48 = arith.constant 256 : i32
    %dma_start3A_49 = tpu.memref_slice %arg7[%dma_start3A_48] : memref<100000xf32, #tpu.memory_space<hbm>> -> memref<128xf32, #tpu.memory_space<hbm>>
    tpu.enqueue_dma source(%dma_start3A_49 : memref<128xf32, #tpu.memory_space<hbm>>) target(%dma_start3A_47 : memref<128xf32, #tpu.memory_space<vmem>>) target_semaphore(%arg18 : memref<!tpu.dma_semaphore, #tpu.memory_space<semaphore_mem>>)
    %dma_start3A_50 = arith.constant 384 : i32
    %dma_start3A_51 = tpu.memref_slice %arg13[%dma_start3A_50] : memref<512xf32, #tpu.memory_space<vmem>> -> memref<128xf32, #tpu.memory_space<vmem>>
    %dma_start3A_52 = arith.constant 384 : i32
    %dma_start3A_53 = tpu.memref_slice %arg6[%dma_start3A_52] : memref<100000xf32, #tpu.memory_space<hbm>> -> memref<128xf32, #tpu.memory_space<hbm>>
    %dma_start3A_54 = arith.constant 384 : i32
    %dma_start3A_55 = tpu.memref_slice %arg13[%dma_start3A_54] : memref<512xf32, #tpu.memory_space<vmem>> -> memref<128xf32, #tpu.memory_space<vmem>>
    %dma_start3A_56 = arith.constant 384 : i32
    %dma_start3A_57 = tpu.memref_slice %arg6[%dma_start3A_56] : memref<100000xf32, #tpu.memory_space<hbm>> -> memref<128xf32, #tpu.memory_space<hbm>>
    tpu.enqueue_dma source(%dma_start3A_57 : memref<128xf32, #tpu.memory_space<hbm>>) target(%dma_start3A_55 : memref<128xf32, #tpu.memory_space<vmem>>) target_semaphore(%arg18 : memref<!tpu.dma_semaphore, #tpu.memory_space<semaphore_mem>>)
    %dma_start3A_58 = arith.constant 384 : i32
    %dma_start3A_59 = tpu.memref_slice %arg14[%dma_start3A_58] : memref<512xf32, #tpu.memory_space<vmem>> -> memref<128xf32, #tpu.memory_space<vmem>>
    %dma_start3A_60 = arith.constant 384 : i32
    %dma_start3A_61 = tpu.memref_slice %arg7[%dma_start3A_60] : memref<100000xf32, #tpu.memory_space<hbm>> -> memref<128xf32, #tpu.memory_space<hbm>>
    %dma_start3A_62 = arith.constant 384 : i32
    %dma_start3A_63 = tpu.memref_slice %arg14[%dma_start3A_62] : memref<512xf32, #tpu.memory_space<vmem>> -> memref<128xf32, #tpu.memory_space<vmem>>
    %dma_start3A_64 = arith.constant 384 : i32
    %dma_start3A_65 = tpu.memref_slice %arg7[%dma_start3A_64] : memref<100000xf32, #tpu.memory_space<hbm>> -> memref<128xf32, #tpu.memory_space<hbm>>
    tpu.enqueue_dma source(%dma_start3A_65 : memref<128xf32, #tpu.memory_space<hbm>>) target(%dma_start3A_63 : memref<128xf32, #tpu.memory_space<vmem>>) target_semaphore(%arg18 : memref<!tpu.dma_semaphore, #tpu.memory_space<semaphore_mem>>)
    %iota3A = tpu.iota {dimensions = array<i32: 0>} : vector<16xi32>
    %dma_start3A_66 = arith.constant 0 : i32
    %dma_start3A_67 = arith.constant 0 : i32
    %dma_start3A_68 = arith.constant 0 : i32
    %dma_start3A_69 = arith.constant 0 : i32
    %dma_start3A_70 = tpu.memref_slice %arg11[%dma_start3A_67, %dma_start3A_68, %dma_start3A_69] : memref<2x128x128xf32, #tpu.memory_space<vmem>> -> memref<1x128x128xf32, #tpu.memory_space<vmem>>
    %dma_start3A_71 = tpu.memref_squeeze %dma_start3A_70 : memref<1x128x128xf32, #tpu.memory_space<vmem>> -> memref<128x128xf32, #tpu.memory_space<vmem>>
    %dma_start3A_72 = arith.constant 0 : i32
    %dma_start3A_73 = tpu.memref_slice %arg9[%dma_start3A_66, %dma_start3A_72] : memref<4x128xi32, #tpu.memory_space<vmem>> -> memref<1x128xi32, #tpu.memory_space<vmem>>
    %dma_start3A_74 = tpu.memref_squeeze %dma_start3A_73 : memref<1x128xi32, #tpu.memory_space<vmem>> -> memref<128xi32, #tpu.memory_space<vmem>>
    %dma_start3A_75 = arith.constant 0 : i32
    %dma_start3A_76 = arith.constant 0 : i32
    %dma_start3A_77 = tpu.memref_slice %arg5[%dma_start3A_75, %dma_start3A_76] : memref<1000000x128xf32, #tpu.memory_space<hbm>> -> memref<1000000x128xf32, #tpu.memory_space<hbm>>
    tpu.enqueue_indirect_dma source(%dma_start3A_77 : memref<1000000x128xf32, #tpu.memory_space<hbm>>) target(%dma_start3A_71 : memref<128x128xf32, #tpu.memory_space<vmem>>) offsets(%dma_start3A_74 : memref<128xi32, #tpu.memory_space<vmem>>) semaphore(%arg16 : memref<!tpu.dma_semaphore, #tpu.memory_space<semaphore_mem>>)
    %add3A_78 = arith.constant 0 : i32
    %add3A_79 = arith.addi %mul3A_2, %add3A_78 : i32
    %dma_start3A_80 = arith.constant 0 : i32
    %dma_start3A_81 = arith.constant 0 : i32
    %dma_start3A_82 = arith.constant 0 : i32
    %dma_start3A_83 = tpu.memref_slice %arg12[%dma_start3A_80, %dma_start3A_81, %dma_start3A_82] : memref<2x128x128xf32, #tpu.memory_space<vmem>> -> memref<1x128x128xf32, #tpu.memory_space<vmem>>
    %dma_start3A_84 = tpu.memref_squeeze %dma_start3A_83 : memref<1x128x128xf32, #tpu.memory_space<vmem>> -> memref<128x128xf32, #tpu.memory_space<vmem>>
    %dma_start3A_85 = arith.constant 0 : i32
    %dma_start3A_86 = tpu.memref_slice %arg4[%add3A_79, %dma_start3A_85] : memref<16384x128xf32, #tpu.memory_space<hbm>> -> memref<128x128xf32, #tpu.memory_space<hbm>>
    %dma_start3A_87 = arith.constant 0 : i32
    %dma_start3A_88 = arith.constant 0 : i32
    %dma_start3A_89 = tpu.memref_slice %arg12[%dma_start3A_80, %dma_start3A_87, %dma_start3A_88] : memref<2x128x128xf32, #tpu.memory_space<vmem>> -> memref<1x128x128xf32, #tpu.memory_space<vmem>>
    %dma_start3A_90 = tpu.memref_squeeze %dma_start3A_89 : memref<1x128x128xf32, #tpu.memory_space<vmem>> -> memref<128x128xf32, #tpu.memory_space<vmem>>
    %dma_start3A_91 = arith.constant 0 : i32
    %dma_start3A_92 = tpu.memref_slice %arg4[%add3A_79, %dma_start3A_91] : memref<16384x128xf32, #tpu.memory_space<hbm>> -> memref<128x128xf32, #tpu.memory_space<hbm>>
    tpu.enqueue_dma source(%dma_start3A_92 : memref<128x128xf32, #tpu.memory_space<hbm>>) target(%dma_start3A_90 : memref<128x128xf32, #tpu.memory_space<vmem>>) target_semaphore(%arg16 : memref<!tpu.dma_semaphore, #tpu.memory_space<semaphore_mem>>)
    %dma_start3A_93 = arith.constant 1 : i32
    %dma_start3A_94 = arith.constant 1 : i32
    %dma_start3A_95 = arith.constant 0 : i32
    %dma_start3A_96 = arith.constant 0 : i32
    %dma_start3A_97 = tpu.memref_slice %arg11[%dma_start3A_94, %dma_start3A_95, %dma_start3A_96] : memref<2x128x128xf32, #tpu.memory_space<vmem>> -> memref<1x128x128xf32, #tpu.memory_space<vmem>>
    %dma_start3A_98 = tpu.memref_squeeze %dma_start3A_97 : memref<1x128x128xf32, #tpu.memory_space<vmem>> -> memref<128x128xf32, #tpu.memory_space<vmem>>
    %dma_start3A_99 = arith.constant 0 : i32
    %dma_start3A_100 = tpu.memref_slice %arg9[%dma_start3A_93, %dma_start3A_99] : memref<4x128xi32, #tpu.memory_space<vmem>> -> memref<1x128xi32, #tpu.memory_space<vmem>>
    %dma_start3A_101 = tpu.memref_squeeze %dma_start3A_100 : memref<1x128xi32, #tpu.memory_space<vmem>> -> memref<128xi32, #tpu.memory_space<vmem>>
    %dma_start3A_102 = arith.constant 0 : i32
    %dma_start3A_103 = arith.constant 0 : i32
    %dma_start3A_104 = tpu.memref_slice %arg5[%dma_start3A_102, %dma_start3A_103] : memref<1000000x128xf32, #tpu.memory_space<hbm>> -> memref<1000000x128xf32, #tpu.memory_space<hbm>>
    tpu.enqueue_indirect_dma source(%dma_start3A_104 : memref<1000000x128xf32, #tpu.memory_space<hbm>>) target(%dma_start3A_98 : memref<128x128xf32, #tpu.memory_space<vmem>>) offsets(%dma_start3A_101 : memref<128xi32, #tpu.memory_space<vmem>>) semaphore(%arg17 : memref<!tpu.dma_semaphore, #tpu.memory_space<semaphore_mem>>)
    %add3A_105 = arith.constant 128 : i32
    %add3A_106 = arith.addi %mul3A_2, %add3A_105 : i32
    %dma_start3A_107 = arith.constant 1 : i32
    %dma_start3A_108 = arith.constant 0 : i32
    %dma_start3A_109 = arith.constant 0 : i32
    %dma_start3A_110 = tpu.memref_slice %arg12[%dma_start3A_107, %dma_start3A_108, %dma_start3A_109] : memref<2x128x128xf32, #tpu.memory_space<vmem>> -> memref<1x128x128xf32, #tpu.memory_space<vmem>>
    %dma_start3A_111 = tpu.memref_squeeze %dma_start3A_110 : memref<1x128x128xf32, #tpu.memory_space<vmem>> -> memref<128x128xf32, #tpu.memory_space<vmem>>
    %dma_start3A_112 = arith.constant 0 : i32
    %dma_start3A_113 = tpu.memref_slice %arg4[%add3A_106, %dma_start3A_112] : memref<16384x128xf32, #tpu.memory_space<hbm>> -> memref<128x128xf32, #tpu.memory_space<hbm>>
    %dma_start3A_114 = arith.constant 0 : i32
    %dma_start3A_115 = arith.constant 0 : i32
    %dma_start3A_116 = tpu.memref_slice %arg12[%dma_start3A_107, %dma_start3A_114, %dma_start3A_115] : memref<2x128x128xf32, #tpu.memory_space<vmem>> -> memref<1x128x128xf32, #tpu.memory_space<vmem>>
    %dma_start3A_117 = tpu.memref_squeeze %dma_start3A_116 : memref<1x128x128xf32, #tpu.memory_space<vmem>> -> memref<128x128xf32, #tpu.memory_space<vmem>>
    %dma_start3A_118 = arith.constant 0 : i32
    %dma_start3A_119 = tpu.memref_slice %arg4[%add3A_106, %dma_start3A_118] : memref<16384x128xf32, #tpu.memory_space<hbm>> -> memref<128x128xf32, #tpu.memory_space<hbm>>
    tpu.enqueue_dma source(%dma_start3A_119 : memref<128x128xf32, #tpu.memory_space<hbm>>) target(%dma_start3A_117 : memref<128x128xf32, #tpu.memory_space<vmem>>) target_semaphore(%arg17 : memref<!tpu.dma_semaphore, #tpu.memory_space<semaphore_mem>>)
    %dma_wait3A = arith.constant 0 : i32
    %dma_wait3A_120 = arith.constant 0 : i32
    %dma_wait3A_121 = arith.constant 0 : i32
    %dma_wait3A_122 = arith.constant 0 : i32
    %dma_wait3A_123 = tpu.memref_slice %arg11[%dma_wait3A_120, %dma_wait3A_121, %dma_wait3A_122] : memref<2x128x128xf32, #tpu.memory_space<vmem>> -> memref<1x128x128xf32, #tpu.memory_space<vmem>>
    %dma_wait3A_124 = tpu.memref_squeeze %dma_wait3A_123 : memref<1x128x128xf32, #tpu.memory_space<vmem>> -> memref<128x128xf32, #tpu.memory_space<vmem>>
    %dma_wait3A_125 = arith.constant 0 : i32
    %dma_wait3A_126 = tpu.memref_slice %arg9[%dma_wait3A, %dma_wait3A_125] : memref<4x128xi32, #tpu.memory_space<vmem>> -> memref<1x128xi32, #tpu.memory_space<vmem>>
    %dma_wait3A_127 = tpu.memref_squeeze %dma_wait3A_126 : memref<1x128xi32, #tpu.memory_space<vmem>> -> memref<128xi32, #tpu.memory_space<vmem>>
    %dma_wait3A_128 = arith.constant 0 : i32
    %dma_wait3A_129 = arith.constant 0 : i32
    %dma_wait3A_130 = tpu.memref_slice %arg5[%dma_wait3A_128, %dma_wait3A_129] : memref<1000000x128xf32, #tpu.memory_space<hbm>> -> memref<1000000x128xf32, #tpu.memory_space<hbm>>
    tpu.wait_indirect_dma semaphore(%arg16 : memref<!tpu.dma_semaphore, #tpu.memory_space<semaphore_mem>>) src(%dma_wait3A_130 : memref<1000000x128xf32, #tpu.memory_space<hbm>>) dst(%dma_wait3A_124 : memref<128x128xf32, #tpu.memory_space<vmem>>)
    %dma_wait3A_131 = arith.constant 0 : i32
    %dma_wait3A_132 = arith.constant 0 : i32
    %dma_wait3A_133 = arith.constant 0 : i32
    %dma_wait3A_134 = tpu.memref_slice %arg12[%dma_wait3A_131, %dma_wait3A_132, %dma_wait3A_133] : memref<2x128x128xf32, #tpu.memory_space<vmem>> -> memref<1x128x128xf32, #tpu.memory_space<vmem>>
    %dma_wait3A_135 = tpu.memref_squeeze %dma_wait3A_134 : memref<1x128x128xf32, #tpu.memory_space<vmem>> -> memref<128x128xf32, #tpu.memory_space<vmem>>
    %dma_wait3A_136 = arith.constant 0 : i32
    %dma_wait3A_137 = tpu.memref_slice %arg4[%add3A_79, %dma_wait3A_136] : memref<16384x128xf32, #tpu.memory_space<hbm>> -> memref<128x128xf32, #tpu.memory_space<hbm>>
    %dma_wait3A_138 = arith.constant 0 : i32
    %dma_wait3A_139 = arith.constant 0 : i32
    %dma_wait3A_140 = tpu.memref_slice %arg12[%dma_wait3A_131, %dma_wait3A_138, %dma_wait3A_139] : memref<2x128x128xf32, #tpu.memory_space<vmem>> -> memref<1x128x128xf32, #tpu.memory_space<vmem>>
    %dma_wait3A_141 = tpu.memref_squeeze %dma_wait3A_140 : memref<1x128x128xf32, #tpu.memory_space<vmem>> -> memref<128x128xf32, #tpu.memory_space<vmem>>
    %dma_wait3A_142 = arith.constant 0 : i32
    %dma_wait3A_143 = tpu.memref_slice %arg4[%add3A_79, %dma_wait3A_142] : memref<16384x128xf32, #tpu.memory_space<hbm>> -> memref<128x128xf32, #tpu.memory_space<hbm>>
    tpu.wait_dma2 semaphore(%arg16 : memref<!tpu.dma_semaphore, #tpu.memory_space<semaphore_mem>>) src(%dma_wait3A_143 : memref<128x128xf32, #tpu.memory_space<hbm>>) dst(%dma_wait3A_141 : memref<128x128xf32, #tpu.memory_space<vmem>>)
    %dma_wait3A_144 = arith.constant 0 : i32
    %dma_wait3A_145 = tpu.memref_slice %arg13[%dma_wait3A_144] : memref<512xf32, #tpu.memory_space<vmem>> -> memref<128xf32, #tpu.memory_space<vmem>>
    %dma_wait3A_146 = arith.constant 0 : i32
    %dma_wait3A_147 = tpu.memref_slice %arg6[%dma_wait3A_146] : memref<100000xf32, #tpu.memory_space<hbm>> -> memref<128xf32, #tpu.memory_space<hbm>>
    %dma_wait3A_148 = arith.constant 0 : i32
    %dma_wait3A_149 = tpu.memref_slice %arg13[%dma_wait3A_148] : memref<512xf32, #tpu.memory_space<vmem>> -> memref<128xf32, #tpu.memory_space<vmem>>
    %dma_wait3A_150 = arith.constant 0 : i32
    %dma_wait3A_151 = tpu.memref_slice %arg6[%dma_wait3A_150] : memref<100000xf32, #tpu.memory_space<hbm>> -> memref<128xf32, #tpu.memory_space<hbm>>
    tpu.wait_dma2 semaphore(%arg18 : memref<!tpu.dma_semaphore, #tpu.memory_space<semaphore_mem>>) src(%dma_wait3A_151 : memref<128xf32, #tpu.memory_space<hbm>>) dst(%dma_wait3A_149 : memref<128xf32, #tpu.memory_space<vmem>>)
    %dma_wait3A_152 = arith.constant 0 : i32
    %dma_wait3A_153 = tpu.memref_slice %arg14[%dma_wait3A_152] : memref<512xf32, #tpu.memory_space<vmem>> -> memref<128xf32, #tpu.memory_space<vmem>>
    %dma_wait3A_154 = arith.constant 0 : i32
    %dma_wait3A_155 = tpu.memref_slice %arg7[%dma_wait3A_154] : memref<100000xf32, #tpu.memory_space<hbm>> -> memref<128xf32, #tpu.memory_space<hbm>>
    %dma_wait3A_156 = arith.constant 0 : i32
    %dma_wait3A_157 = tpu.memref_slice %arg14[%dma_wait3A_156] : memref<512xf32, #tpu.memory_space<vmem>> -> memref<128xf32, #tpu.memory_space<vmem>>
    %dma_wait3A_158 = arith.constant 0 : i32
    %dma_wait3A_159 = tpu.memref_slice %arg7[%dma_wait3A_158] : memref<100000xf32, #tpu.memory_space<hbm>> -> memref<128xf32, #tpu.memory_space<hbm>>
    tpu.wait_dma2 semaphore(%arg18 : memref<!tpu.dma_semaphore, #tpu.memory_space<semaphore_mem>>) src(%dma_wait3A_159 : memref<128xf32, #tpu.memory_space<hbm>>) dst(%dma_wait3A_157 : memref<128xf32, #tpu.memory_space<vmem>>)
    %dma_wait3A_160 = arith.constant 128 : i32
    %dma_wait3A_161 = tpu.memref_slice %arg13[%dma_wait3A_160] : memref<512xf32, #tpu.memory_space<vmem>> -> memref<128xf32, #tpu.memory_space<vmem>>
    %dma_wait3A_162 = arith.constant 128 : i32
    %dma_wait3A_163 = tpu.memref_slice %arg6[%dma_wait3A_162] : memref<100000xf32, #tpu.memory_space<hbm>> -> memref<128xf32, #tpu.memory_space<hbm>>
    %dma_wait3A_164 = arith.constant 128 : i32
    %dma_wait3A_165 = tpu.memref_slice %arg13[%dma_wait3A_164] : memref<512xf32, #tpu.memory_space<vmem>> -> memref<128xf32, #tpu.memory_space<vmem>>
    %dma_wait3A_166 = arith.constant 128 : i32
    %dma_wait3A_167 = tpu.memref_slice %arg6[%dma_wait3A_166] : memref<100000xf32, #tpu.memory_space<hbm>> -> memref<128xf32, #tpu.memory_space<hbm>>
    tpu.wait_dma2 semaphore(%arg18 : memref<!tpu.dma_semaphore, #tpu.memory_space<semaphore_mem>>) src(%dma_wait3A_167 : memref<128xf32, #tpu.memory_space<hbm>>) dst(%dma_wait3A_165 : memref<128xf32, #tpu.memory_space<vmem>>)
    %dma_wait3A_168 = arith.constant 128 : i32
    %dma_wait3A_169 = tpu.memref_slice %arg14[%dma_wait3A_168] : memref<512xf32, #tpu.memory_space<vmem>> -> memref<128xf32, #tpu.memory_space<vmem>>
    %dma_wait3A_170 = arith.constant 128 : i32
    %dma_wait3A_171 = tpu.memref_slice %arg7[%dma_wait3A_170] : memref<100000xf32, #tpu.memory_space<hbm>> -> memref<128xf32, #tpu.memory_space<hbm>>
    %dma_wait3A_172 = arith.constant 128 : i32
    %dma_wait3A_173 = tpu.memref_slice %arg14[%dma_wait3A_172] : memref<512xf32, #tpu.memory_space<vmem>> -> memref<128xf32, #tpu.memory_space<vmem>>
    %dma_wait3A_174 = arith.constant 128 : i32
    %dma_wait3A_175 = tpu.memref_slice %arg7[%dma_wait3A_174] : memref<100000xf32, #tpu.memory_space<hbm>> -> memref<128xf32, #tpu.memory_space<hbm>>
    tpu.wait_dma2 semaphore(%arg18 : memref<!tpu.dma_semaphore, #tpu.memory_space<semaphore_mem>>) src(%dma_wait3A_175 : memref<128xf32, #tpu.memory_space<hbm>>) dst(%dma_wait3A_173 : memref<128xf32, #tpu.memory_space<vmem>>)
    %dma_wait3A_176 = arith.constant 256 : i32
    %dma_wait3A_177 = tpu.memref_slice %arg13[%dma_wait3A_176] : memref<512xf32, #tpu.memory_space<vmem>> -> memref<128xf32, #tpu.memory_space<vmem>>
    %dma_wait3A_178 = arith.constant 256 : i32
    %dma_wait3A_179 = tpu.memref_slice %arg6[%dma_wait3A_178] : memref<100000xf32, #tpu.memory_space<hbm>> -> memref<128xf32, #tpu.memory_space<hbm>>
    %dma_wait3A_180 = arith.constant 256 : i32
    %dma_wait3A_181 = tpu.memref_slice %arg13[%dma_wait3A_180] : memref<512xf32, #tpu.memory_space<vmem>> -> memref<128xf32, #tpu.memory_space<vmem>>
    %dma_wait3A_182 = arith.constant 256 : i32
    %dma_wait3A_183 = tpu.memref_slice %arg6[%dma_wait3A_182] : memref<100000xf32, #tpu.memory_space<hbm>> -> memref<128xf32, #tpu.memory_space<hbm>>
    tpu.wait_dma2 semaphore(%arg18 : memref<!tpu.dma_semaphore, #tpu.memory_space<semaphore_mem>>) src(%dma_wait3A_183 : memref<128xf32, #tpu.memory_space<hbm>>) dst(%dma_wait3A_181 : memref<128xf32, #tpu.memory_space<vmem>>)
    %dma_wait3A_184 = arith.constant 256 : i32
    %dma_wait3A_185 = tpu.memref_slice %arg14[%dma_wait3A_184] : memref<512xf32, #tpu.memory_space<vmem>> -> memref<128xf32, #tpu.memory_space<vmem>>
    %dma_wait3A_186 = arith.constant 256 : i32
    %dma_wait3A_187 = tpu.memref_slice %arg7[%dma_wait3A_186] : memref<100000xf32, #tpu.memory_space<hbm>> -> memref<128xf32, #tpu.memory_space<hbm>>
    %dma_wait3A_188 = arith.constant 256 : i32
    %dma_wait3A_189 = tpu.memref_slice %arg14[%dma_wait3A_188] : memref<512xf32, #tpu.memory_space<vmem>> -> memref<128xf32, #tpu.memory_space<vmem>>
    %dma_wait3A_190 = arith.constant 256 : i32
    %dma_wait3A_191 = tpu.memref_slice %arg7[%dma_wait3A_190] : memref<100000xf32, #tpu.memory_space<hbm>> -> memref<128xf32, #tpu.memory_space<hbm>>
    tpu.wait_dma2 semaphore(%arg18 : memref<!tpu.dma_semaphore, #tpu.memory_space<semaphore_mem>>) src(%dma_wait3A_191 : memref<128xf32, #tpu.memory_space<hbm>>) dst(%dma_wait3A_189 : memref<128xf32, #tpu.memory_space<vmem>>)
    %dma_wait3A_192 = arith.constant 384 : i32
    %dma_wait3A_193 = tpu.memref_slice %arg13[%dma_wait3A_192] : memref<512xf32, #tpu.memory_space<vmem>> -> memref<128xf32, #tpu.memory_space<vmem>>
    %dma_wait3A_194 = arith.constant 384 : i32
    %dma_wait3A_195 = tpu.memref_slice %arg6[%dma_wait3A_194] : memref<100000xf32, #tpu.memory_space<hbm>> -> memref<128xf32, #tpu.memory_space<hbm>>
    %dma_wait3A_196 = arith.constant 384 : i32
    %dma_wait3A_197 = tpu.memref_slice %arg13[%dma_wait3A_196] : memref<512xf32, #tpu.memory_space<vmem>> -> memref<128xf32, #tpu.memory_space<vmem>>
    %dma_wait3A_198 = arith.constant 384 : i32
    %dma_wait3A_199 = tpu.memref_slice %arg6[%dma_wait3A_198] : memref<100000xf32, #tpu.memory_space<hbm>> -> memref<128xf32, #tpu.memory_space<hbm>>
    tpu.wait_dma2 semaphore(%arg18 : memref<!tpu.dma_semaphore, #tpu.memory_space<semaphore_mem>>) src(%dma_wait3A_199 : memref<128xf32, #tpu.memory_space<hbm>>) dst(%dma_wait3A_197 : memref<128xf32, #tpu.memory_space<vmem>>)
    %dma_wait3A_200 = arith.constant 384 : i32
    %dma_wait3A_201 = tpu.memref_slice %arg14[%dma_wait3A_200] : memref<512xf32, #tpu.memory_space<vmem>> -> memref<128xf32, #tpu.memory_space<vmem>>
    %dma_wait3A_202 = arith.constant 384 : i32
    %dma_wait3A_203 = tpu.memref_slice %arg7[%dma_wait3A_202] : memref<100000xf32, #tpu.memory_space<hbm>> -> memref<128xf32, #tpu.memory_space<hbm>>
    %dma_wait3A_204 = arith.constant 384 : i32
    %dma_wait3A_205 = tpu.memref_slice %arg14[%dma_wait3A_204] : memref<512xf32, #tpu.memory_space<vmem>> -> memref<128xf32, #tpu.memory_space<vmem>>
    %dma_wait3A_206 = arith.constant 384 : i32
    %dma_wait3A_207 = tpu.memref_slice %arg7[%dma_wait3A_206] : memref<100000xf32, #tpu.memory_space<hbm>> -> memref<128xf32, #tpu.memory_space<hbm>>
    tpu.wait_dma2 semaphore(%arg18 : memref<!tpu.dma_semaphore, #tpu.memory_space<semaphore_mem>>) src(%dma_wait3A_207 : memref<128xf32, #tpu.memory_space<hbm>>) dst(%dma_wait3A_205 : memref<128xf32, #tpu.memory_space<vmem>>)
    %scan3A = arith.constant 0 : i32
    %scan3A_208 = arith.constant 0 : i32
    %scan3A_209 = arith.constant 0 : i32
    %scan3A_210 = arith.constant 0 : i32
    %scan3A_211 = arith.constant 8 : i32
    %scan3A_212 = arith.addi %scan3A_210, %scan3A_211 : i32
    %scan3A_213 = arith.constant 1 : i32
    scf.for %scan3A_368 = %scan3A_210 to %scan3A_212 step %scan3A_213  : i32 {
      %mul3A_369 = arith.constant 16 : i32
      %mul3A_370 = arith.muli %scan3A_368, %mul3A_369 : i32
      %add3A_371 = vector.broadcast %mul3A_370 : i32 to vector<16xi32>
      %add3A_372 = arith.addi %add3A_371, %iota3A : vector<16xi32>
      %broadcast_in_dim3A = arith.constant 0.000000e+00 : f32
      %broadcast_in_dim3A_373 = vector.broadcast %broadcast_in_dim3A : f32 to vector<16xf32>
      %parallel_loop3A = arith.constant 0 : i32
      %parallel_loop3A_374 = arith.constant 128 : i32
      %parallel_loop3A_375 = arith.constant 1 : i32
      %parallel_loop3A_376 = scf.for %parallel_loop3A_432 = %parallel_loop3A to %parallel_loop3A_374 step %parallel_loop3A_375 iter_args(%parallel_loop3A_433 = %broadcast_in_dim3A_373) -> (vector<16xf32>)  : i32 {
        %parallel_loop3A_434 = vector.broadcast %parallel_loop3A_432 : i32 to vector<16xi32>
        %parallel_loop3A_435 = arith.addi %parallel_loop3A_434, %iota3A : vector<16xi32>
        %parallel_loop3A_436 = arith.constant 127 : i32
        %parallel_loop3A_437 = vector.broadcast %parallel_loop3A_436 : i32 to vector<16xi32>
        %parallel_loop3A_438 = arith.andi %parallel_loop3A_435, %parallel_loop3A_437 : vector<16xi32>
        %parallel_loop3A_439 = arith.constant 0 : i32
        %parallel_loop3A_440 = arith.constant 0 : i32
        %parallel_loop3A_441 = tpu.memref_slice %arg11[%scan3A_208, %parallel_loop3A_439, %parallel_loop3A_440] : memref<2x128x128xf32, #tpu.memory_space<vmem>> -> memref<1x128x128xf32, #tpu.memory_space<vmem>>
        %parallel_loop3A_442 = tpu.memref_squeeze %parallel_loop3A_441 : memref<1x128x128xf32, #tpu.memory_space<vmem>> -> memref<128x128xf32, #tpu.memory_space<vmem>>
        %parallel_loop3A_443 = tpu.vector_load_idx %parallel_loop3A_442[%add3A_372, %parallel_loop3A_438] : memref<128x128xf32, #tpu.memory_space<vmem>>[vector<16xi32>, vector<16xi32>], vector<16xf32>,
        %parallel_loop3A_444 = arith.constant 0 : i32
        %parallel_loop3A_445 = arith.constant 0 : i32
        %parallel_loop3A_446 = tpu.memref_slice %arg12[%scan3A_209, %parallel_loop3A_444, %parallel_loop3A_445] : memref<2x128x128xf32, #tpu.memory_space<vmem>> -> memref<1x128x128xf32, #tpu.memory_space<vmem>>
        %parallel_loop3A_447 = tpu.memref_squeeze %parallel_loop3A_446 : memref<1x128x128xf32, #tpu.memory_space<vmem>> -> memref<128x128xf32, #tpu.memory_space<vmem>>
        %parallel_loop3A_448 = tpu.vector_load_idx %parallel_loop3A_447[%add3A_372, %parallel_loop3A_438] : memref<128x128xf32, #tpu.memory_space<vmem>>[vector<16xi32>, vector<16xi32>], vector<16xf32>,
        %parallel_loop3A_449 = arith.constant 0.000000e+00 : f32
        %parallel_loop3A_450 = vector.broadcast %parallel_loop3A_449 : f32 to vector<16xf32>
        %parallel_loop3A_451 = arith.subf %parallel_loop3A_450, %parallel_loop3A_443 : vector<16xf32>
        %parallel_loop3A_452 = math.exp %parallel_loop3A_451 : vector<16xf32>
        %parallel_loop3A_453 = arith.constant 1.000000e+00 : f32
        %parallel_loop3A_454 = vector.broadcast %parallel_loop3A_453 : f32 to vector<16xf32>
        %parallel_loop3A_455 = arith.subf %parallel_loop3A_454, %parallel_loop3A_452 : vector<16xf32>
        %parallel_loop3A_456 = arith.constant 1.000000e+00 : f32
        %parallel_loop3A_457 = vector.broadcast %parallel_loop3A_456 : f32 to vector<16xf32>
        %parallel_loop3A_458 = arith.addf %parallel_loop3A_457, %parallel_loop3A_452 : vector<16xf32>
        %parallel_loop3A_459 = arith.divf %parallel_loop3A_455, %parallel_loop3A_458 : vector<16xf32>
        %parallel_loop3A_460 = arith.mulf %parallel_loop3A_448, %parallel_loop3A_459 : vector<16xf32>
        %parallel_loop3A_461 = arith.addf %parallel_loop3A_433, %parallel_loop3A_460 : vector<16xf32>
        scf.yield %parallel_loop3A_461 : vector<16xf32>
      } {sc.loop_unroll_factor = 8 : i64, sc.parallel_access}
      %mul3A_377 = arith.constant 5.000000e-01 : f32
      %mul3A_378 = vector.broadcast %mul3A_377 : f32 to vector<16xf32>
      %mul3A_379 = arith.mulf %mul3A_378, %parallel_loop3A_376 : vector<16xf32>
      %mul3A_380 = arith.constant 2.000000e-02 : f32
      %mul3A_381 = vector.broadcast %mul3A_380 : f32 to vector<16xf32>
      %mul3A_382 = arith.mulf %mul3A_379, %mul3A_381 : vector<16xf32>
      %neg3A = arith.constant 0.000000e+00 : f32
      %neg3A_383 = vector.broadcast %neg3A : f32 to vector<16xf32>
      %neg3A_384 = arith.subf %neg3A_383, %mul3A_382 : vector<16xf32>
      %exp3A = math.exp %neg3A_384 : vector<16xf32>
      %add3A_385 = arith.constant 1.000000e+00 : f32
      %add3A_386 = vector.broadcast %add3A_385 : f32 to vector<16xf32>
      %add3A_387 = arith.addf %add3A_386, %exp3A : vector<16xf32>
      %div3A = arith.constant 1.000000e+00 : f32
      %div3A_388 = vector.broadcast %div3A : f32 to vector<16xf32>
      %div3A_389 = arith.divf %div3A_388, %add3A_387 : vector<16xf32>
      %mul3A_390 = arith.constant 16 : i32
      %mul3A_391 = arith.muli %scan3A_368, %mul3A_390 : i32
      %add3A_392 = arith.constant 0 : i32
      %add3A_393 = arith.addi %add3A_392, %mul3A_391 : i32
      %get3A = arith.index_cast %add3A_393 : i32 to index
      %get3A_394 = tpu.vector_load %arg13[%get3A] {strides = array<i32>} : memref<512xf32, #tpu.memory_space<vmem>>, vector<16xf32>,
      %neg3A_395 = arith.constant 0.000000e+00 : f32
      %neg3A_396 = vector.broadcast %neg3A_395 : f32 to vector<16xf32>
      %neg3A_397 = arith.subf %neg3A_396, %get3A_394 : vector<16xf32>
      %exp3A_398 = math.exp %neg3A_397 : vector<16xf32>
      %add3A_399 = arith.constant 1.000000e+00 : f32
      %add3A_400 = vector.broadcast %add3A_399 : f32 to vector<16xf32>
      %add3A_401 = arith.addf %add3A_400, %exp3A_398 : vector<16xf32>
      %div3A_402 = arith.constant 1.000000e+00 : f32
      %div3A_403 = vector.broadcast %div3A_402 : f32 to vector<16xf32>
      %div3A_404 = arith.divf %div3A_403, %add3A_401 : vector<16xf32>
      %mul3A_405 = arith.constant 4.000000e-01 : f32
      %mul3A_406 = vector.broadcast %mul3A_405 : f32 to vector<16xf32>
      %mul3A_407 = arith.mulf %mul3A_406, %div3A_404 : vector<16xf32>
      %get3A_408 = arith.index_cast %add3A_393 : i32 to index
      %get3A_409 = tpu.vector_load %arg14[%get3A_408] {strides = array<i32>} : memref<512xf32, #tpu.memory_space<vmem>>, vector<16xf32>,
      %neg3A_410 = arith.constant 0.000000e+00 : f32
      %neg3A_411 = vector.broadcast %neg3A_410 : f32 to vector<16xf32>
      %neg3A_412 = arith.subf %neg3A_411, %get3A_409 : vector<16xf32>
      %exp3A_413 = math.exp %neg3A_412 : vector<16xf32>
      %add3A_414 = arith.constant 1.000000e+00 : f32
      %add3A_415 = vector.broadcast %add3A_414 : f32 to vector<16xf32>
      %add3A_416 = arith.addf %add3A_415, %exp3A_413 : vector<16xf32>
      %div3A_417 = arith.constant 1.000000e+00 : f32
      %div3A_418 = vector.broadcast %div3A_417 : f32 to vector<16xf32>
      %div3A_419 = arith.divf %div3A_418, %add3A_416 : vector<16xf32>
      %mul3A_420 = arith.constant 4.000000e-01 : f32
      %mul3A_421 = vector.broadcast %mul3A_420 : f32 to vector<16xf32>
      %mul3A_422 = arith.mulf %mul3A_421, %div3A_419 : vector<16xf32>
      %sub3A = arith.constant 1.000000e+00 : f32
      %sub3A_423 = vector.broadcast %sub3A : f32 to vector<16xf32>
      %sub3A_424 = arith.subf %sub3A_423, %mul3A_407 : vector<16xf32>
      %mul3A_425 = arith.mulf %sub3A_424, %div3A_389 : vector<16xf32>
      %sub3A_426 = arith.constant 1.000000e+00 : f32
      %sub3A_427 = vector.broadcast %sub3A_426 : f32 to vector<16xf32>
      %sub3A_428 = arith.subf %sub3A_427, %div3A_389 : vector<16xf32>
      %mul3A_429 = arith.mulf %mul3A_422, %sub3A_428 : vector<16xf32>
      %add3A_430 = arith.addf %mul3A_425, %mul3A_429 : vector<16xf32>
      %swap3A = arith.index_cast %add3A_393 : i32 to index
      %swap3A_431 = tpu.vector_load %arg15[%swap3A] {strides = array<i32>} : memref<512xf32, #tpu.memory_space<vmem>>, vector<16xf32>,
      tpu.vector_store %arg15[%swap3A], %add3A_430 {strides = array<i32>} : memref<512xf32, #tpu.memory_space<vmem>>, vector<16xf32>,
    }
    %scan3A_214 = arith.constant 8 : i32
    %dma_start3A_215 = arith.constant 2 : i32
    %dma_start3A_216 = arith.constant 0 : i32
    %dma_start3A_217 = arith.constant 0 : i32
    %dma_start3A_218 = arith.constant 0 : i32
    %dma_start3A_219 = tpu.memref_slice %arg11[%dma_start3A_216, %dma_start3A_217, %dma_start3A_218] : memref<2x128x128xf32, #tpu.memory_space<vmem>> -> memref<1x128x128xf32, #tpu.memory_space<vmem>>
    %dma_start3A_220 = tpu.memref_squeeze %dma_start3A_219 : memref<1x128x128xf32, #tpu.memory_space<vmem>> -> memref<128x128xf32, #tpu.memory_space<vmem>>
    %dma_start3A_221 = arith.constant 0 : i32
    %dma_start3A_222 = tpu.memref_slice %arg9[%dma_start3A_215, %dma_start3A_221] : memref<4x128xi32, #tpu.memory_space<vmem>> -> memref<1x128xi32, #tpu.memory_space<vmem>>
    %dma_start3A_223 = tpu.memref_squeeze %dma_start3A_222 : memref<1x128xi32, #tpu.memory_space<vmem>> -> memref<128xi32, #tpu.memory_space<vmem>>
    %dma_start3A_224 = arith.constant 0 : i32
    %dma_start3A_225 = arith.constant 0 : i32
    %dma_start3A_226 = tpu.memref_slice %arg5[%dma_start3A_224, %dma_start3A_225] : memref<1000000x128xf32, #tpu.memory_space<hbm>> -> memref<1000000x128xf32, #tpu.memory_space<hbm>>
    tpu.enqueue_indirect_dma source(%dma_start3A_226 : memref<1000000x128xf32, #tpu.memory_space<hbm>>) target(%dma_start3A_220 : memref<128x128xf32, #tpu.memory_space<vmem>>) offsets(%dma_start3A_223 : memref<128xi32, #tpu.memory_space<vmem>>) semaphore(%arg16 : memref<!tpu.dma_semaphore, #tpu.memory_space<semaphore_mem>>)
    %add3A_227 = arith.constant 256 : i32
    %add3A_228 = arith.addi %mul3A_2, %add3A_227 : i32
    %dma_start3A_229 = arith.constant 0 : i32
    %dma_start3A_230 = arith.constant 0 : i32
    %dma_start3A_231 = arith.constant 0 : i32
    %dma_start3A_232 = tpu.memref_slice %arg12[%dma_start3A_229, %dma_start3A_230, %dma_start3A_231] : memref<2x128x128xf32, #tpu.memory_space<vmem>> -> memref<1x128x128xf32, #tpu.memory_space<vmem>>
    %dma_start3A_233 = tpu.memref_squeeze %dma_start3A_232 : memref<1x128x128xf32, #tpu.memory_space<vmem>> -> memref<128x128xf32, #tpu.memory_space<vmem>>
    %dma_start3A_234 = arith.constant 0 : i32
    %dma_start3A_235 = tpu.memref_slice %arg4[%add3A_228, %dma_start3A_234] : memref<16384x128xf32, #tpu.memory_space<hbm>> -> memref<128x128xf32, #tpu.memory_space<hbm>>
    %dma_start3A_236 = arith.constant 0 : i32
    %dma_start3A_237 = arith.constant 0 : i32
    %dma_start3A_238 = tpu.memref_slice %arg12[%dma_start3A_229, %dma_start3A_236, %dma_start3A_237] : memref<2x128x128xf32, #tpu.memory_space<vmem>> -> memref<1x128x128xf32, #tpu.memory_space<vmem>>
    %dma_start3A_239 = tpu.memref_squeeze %dma_start3A_238 : memref<1x128x128xf32, #tpu.memory_space<vmem>> -> memref<128x128xf32, #tpu.memory_space<vmem>>
    %dma_start3A_240 = arith.constant 0 : i32
    %dma_start3A_241 = tpu.memref_slice %arg4[%add3A_228, %dma_start3A_240] : memref<16384x128xf32, #tpu.memory_space<hbm>> -> memref<128x128xf32, #tpu.memory_space<hbm>>
    tpu.enqueue_dma source(%dma_start3A_241 : memref<128x128xf32, #tpu.memory_space<hbm>>) target(%dma_start3A_239 : memref<128x128xf32, #tpu.memory_space<vmem>>) target_semaphore(%arg16 : memref<!tpu.dma_semaphore, #tpu.memory_space<semaphore_mem>>)
    %dma_wait3A_242 = arith.constant 1 : i32
    %dma_wait3A_243 = arith.constant 1 : i32
    %dma_wait3A_244 = arith.constant 0 : i32
    %dma_wait3A_245 = arith.constant 0 : i32
    %dma_wait3A_246 = tpu.memref_slice %arg11[%dma_wait3A_243, %dma_wait3A_244, %dma_wait3A_245] : memref<2x128x128xf32, #tpu.memory_space<vmem>> -> memref<1x128x128xf32, #tpu.memory_space<vmem>>
    %dma_wait3A_247 = tpu.memref_squeeze %dma_wait3A_246 : memref<1x128x128xf32, #tpu.memory_space<vmem>> -> memref<128x128xf32, #tpu.memory_space<vmem>>
    %dma_wait3A_248 = arith.constant 0 : i32
    %dma_wait3A_249 = tpu.memref_slice %arg9[%dma_wait3A_242, %dma_wait3A_248] : memref<4x128xi32, #tpu.memory_space<vmem>> -> memref<1x128xi32, #tpu.memory_space<vmem>>
    %dma_wait3A_250 = tpu.memref_squeeze %dma_wait3A_249 : memref<1x128xi32, #tpu.memory_space<vmem>> -> memref<128xi32, #tpu.memory_space<vmem>>
    %dma_wait3A_251 = arith.constant 0 : i32
    %dma_wait3A_252 = arith.constant 0 : i32
    %dma_wait3A_253 = tpu.memref_slice %arg5[%dma_wait3A_251, %dma_wait3A_252] : memref<1000000x128xf32, #tpu.memory_space<hbm>> -> memref<1000000x128xf32, #tpu.memory_space<hbm>>
    tpu.wait_indirect_dma semaphore(%arg17 : memref<!tpu.dma_semaphore, #tpu.memory_space<semaphore_mem>>) src(%dma_wait3A_253 : memref<1000000x128xf32, #tpu.memory_space<hbm>>) dst(%dma_wait3A_247 : memref<128x128xf32, #tpu.memory_space<vmem>>)
    %dma_wait3A_254 = arith.constant 1 : i32
    %dma_wait3A_255 = arith.constant 0 : i32
    %dma_wait3A_256 = arith.constant 0 : i32
    %dma_wait3A_257 = tpu.memref_slice %arg12[%dma_wait3A_254, %dma_wait3A_255, %dma_wait3A_256] : memref<2x128x128xf32, #tpu.memory_space<vmem>> -> memref<1x128x128xf32, #tpu.memory_space<vmem>>
    %dma_wait3A_258 = tpu.memref_squeeze %dma_wait3A_257 : memref<1x128x128xf32, #tpu.memory_space<vmem>> -> memref<128x128xf32, #tpu.memory_space<vmem>>
    %dma_wait3A_259 = arith.constant 0 : i32
    %dma_wait3A_260 = tpu.memref_slice %arg4[%add3A_106, %dma_wait3A_259] : memref<16384x128xf32, #tpu.memory_space<hbm>> -> memref<128x128xf32, #tpu.memory_space<hbm>>
    %dma_wait3A_261 = arith.constant 0 : i32
    %dma_wait3A_262 = arith.constant 0 : i32
    %dma_wait3A_263 = tpu.memref_slice %arg12[%dma_wait3A_254, %dma_wait3A_261, %dma_wait3A_262] : memref<2x128x128xf32, #tpu.memory_space<vmem>> -> memref<1x128x128xf32, #tpu.memory_space<vmem>>
    %dma_wait3A_264 = tpu.memref_squeeze %dma_wait3A_263 : memref<1x128x128xf32, #tpu.memory_space<vmem>> -> memref<128x128xf32, #tpu.memory_space<vmem>>
    %dma_wait3A_265 = arith.constant 0 : i32
    %dma_wait3A_266 = tpu.memref_slice %arg4[%add3A_106, %dma_wait3A_265] : memref<16384x128xf32, #tpu.memory_space<hbm>> -> memref<128x128xf32, #tpu.memory_space<hbm>>
    tpu.wait_dma2 semaphore(%arg17 : memref<!tpu.dma_semaphore, #tpu.memory_space<semaphore_mem>>) src(%dma_wait3A_266 : memref<128x128xf32, #tpu.memory_space<hbm>>) dst(%dma_wait3A_264 : memref<128x128xf32, #tpu.memory_space<vmem>>)
    %scan3A_267 = arith.constant 0 : i32
    %scan3A_268 = arith.constant 1 : i32
    %scan3A_269 = arith.constant 1 : i32
    %scan3A_270 = arith.constant 0 : i32
    %scan3A_271 = arith.constant 8 : i32
    %scan3A_272 = arith.addi %scan3A_270, %scan3A_271 : i32
    %scan3A_273 = arith.constant 1 : i32
    scf.for %scan3A_368 = %scan3A_270 to %scan3A_272 step %scan3A_273  : i32 {
      %mul3A_369 = arith.constant 16 : i32
      %mul3A_370 = arith.muli %scan3A_368, %mul3A_369 : i32
      %add3A_371 = vector.broadcast %mul3A_370 : i32 to vector<16xi32>
      %add3A_372 = arith.addi %add3A_371, %iota3A : vector<16xi32>
      %broadcast_in_dim3A = arith.constant 0.000000e+00 : f32
      %broadcast_in_dim3A_373 = vector.broadcast %broadcast_in_dim3A : f32 to vector<16xf32>
      %parallel_loop3A = arith.constant 0 : i32
      %parallel_loop3A_374 = arith.constant 128 : i32
      %parallel_loop3A_375 = arith.constant 1 : i32
      %parallel_loop3A_376 = scf.for %parallel_loop3A_432 = %parallel_loop3A to %parallel_loop3A_374 step %parallel_loop3A_375 iter_args(%parallel_loop3A_433 = %broadcast_in_dim3A_373) -> (vector<16xf32>)  : i32 {
        %parallel_loop3A_434 = vector.broadcast %parallel_loop3A_432 : i32 to vector<16xi32>
        %parallel_loop3A_435 = arith.addi %parallel_loop3A_434, %iota3A : vector<16xi32>
        %parallel_loop3A_436 = arith.constant 127 : i32
        %parallel_loop3A_437 = vector.broadcast %parallel_loop3A_436 : i32 to vector<16xi32>
        %parallel_loop3A_438 = arith.andi %parallel_loop3A_435, %parallel_loop3A_437 : vector<16xi32>
        %parallel_loop3A_439 = arith.constant 0 : i32
        %parallel_loop3A_440 = arith.constant 0 : i32
        %parallel_loop3A_441 = tpu.memref_slice %arg11[%scan3A_268, %parallel_loop3A_439, %parallel_loop3A_440] : memref<2x128x128xf32, #tpu.memory_space<vmem>> -> memref<1x128x128xf32, #tpu.memory_space<vmem>>
        %parallel_loop3A_442 = tpu.memref_squeeze %parallel_loop3A_441 : memref<1x128x128xf32, #tpu.memory_space<vmem>> -> memref<128x128xf32, #tpu.memory_space<vmem>>
        %parallel_loop3A_443 = tpu.vector_load_idx %parallel_loop3A_442[%add3A_372, %parallel_loop3A_438] : memref<128x128xf32, #tpu.memory_space<vmem>>[vector<16xi32>, vector<16xi32>], vector<16xf32>,
        %parallel_loop3A_444 = arith.constant 0 : i32
        %parallel_loop3A_445 = arith.constant 0 : i32
        %parallel_loop3A_446 = tpu.memref_slice %arg12[%scan3A_269, %parallel_loop3A_444, %parallel_loop3A_445] : memref<2x128x128xf32, #tpu.memory_space<vmem>> -> memref<1x128x128xf32, #tpu.memory_space<vmem>>
        %parallel_loop3A_447 = tpu.memref_squeeze %parallel_loop3A_446 : memref<1x128x128xf32, #tpu.memory_space<vmem>> -> memref<128x128xf32, #tpu.memory_space<vmem>>
        %parallel_loop3A_448 = tpu.vector_load_idx %parallel_loop3A_447[%add3A_372, %parallel_loop3A_438] : memref<128x128xf32, #tpu.memory_space<vmem>>[vector<16xi32>, vector<16xi32>], vector<16xf32>,
        %parallel_loop3A_449 = arith.constant 0.000000e+00 : f32
        %parallel_loop3A_450 = vector.broadcast %parallel_loop3A_449 : f32 to vector<16xf32>
        %parallel_loop3A_451 = arith.subf %parallel_loop3A_450, %parallel_loop3A_443 : vector<16xf32>
        %parallel_loop3A_452 = math.exp %parallel_loop3A_451 : vector<16xf32>
        %parallel_loop3A_453 = arith.constant 1.000000e+00 : f32
        %parallel_loop3A_454 = vector.broadcast %parallel_loop3A_453 : f32 to vector<16xf32>
        %parallel_loop3A_455 = arith.subf %parallel_loop3A_454, %parallel_loop3A_452 : vector<16xf32>
        %parallel_loop3A_456 = arith.constant 1.000000e+00 : f32
        %parallel_loop3A_457 = vector.broadcast %parallel_loop3A_456 : f32 to vector<16xf32>
        %parallel_loop3A_458 = arith.addf %parallel_loop3A_457, %parallel_loop3A_452 : vector<16xf32>
        %parallel_loop3A_459 = arith.divf %parallel_loop3A_455, %parallel_loop3A_458 : vector<16xf32>
        %parallel_loop3A_460 = arith.mulf %parallel_loop3A_448, %parallel_loop3A_459 : vector<16xf32>
        %parallel_loop3A_461 = arith.addf %parallel_loop3A_433, %parallel_loop3A_460 : vector<16xf32>
        scf.yield %parallel_loop3A_461 : vector<16xf32>
      } {sc.loop_unroll_factor = 8 : i64, sc.parallel_access}
      %mul3A_377 = arith.constant 5.000000e-01 : f32
      %mul3A_378 = vector.broadcast %mul3A_377 : f32 to vector<16xf32>
      %mul3A_379 = arith.mulf %mul3A_378, %parallel_loop3A_376 : vector<16xf32>
      %mul3A_380 = arith.constant 2.000000e-02 : f32
      %mul3A_381 = vector.broadcast %mul3A_380 : f32 to vector<16xf32>
      %mul3A_382 = arith.mulf %mul3A_379, %mul3A_381 : vector<16xf32>
      %neg3A = arith.constant 0.000000e+00 : f32
      %neg3A_383 = vector.broadcast %neg3A : f32 to vector<16xf32>
      %neg3A_384 = arith.subf %neg3A_383, %mul3A_382 : vector<16xf32>
      %exp3A = math.exp %neg3A_384 : vector<16xf32>
      %add3A_385 = arith.constant 1.000000e+00 : f32
      %add3A_386 = vector.broadcast %add3A_385 : f32 to vector<16xf32>
      %add3A_387 = arith.addf %add3A_386, %exp3A : vector<16xf32>
      %div3A = arith.constant 1.000000e+00 : f32
      %div3A_388 = vector.broadcast %div3A : f32 to vector<16xf32>
      %div3A_389 = arith.divf %div3A_388, %add3A_387 : vector<16xf32>
      %mul3A_390 = arith.constant 16 : i32
      %mul3A_391 = arith.muli %scan3A_368, %mul3A_390 : i32
      %add3A_392 = arith.constant 128 : i32
      %add3A_393 = arith.addi %add3A_392, %mul3A_391 : i32
      %get3A = arith.index_cast %add3A_393 : i32 to index
      %get3A_394 = tpu.vector_load %arg13[%get3A] {strides = array<i32>} : memref<512xf32, #tpu.memory_space<vmem>>, vector<16xf32>,
      %neg3A_395 = arith.constant 0.000000e+00 : f32
      %neg3A_396 = vector.broadcast %neg3A_395 : f32 to vector<16xf32>
      %neg3A_397 = arith.subf %neg3A_396, %get3A_394 : vector<16xf32>
      %exp3A_398 = math.exp %neg3A_397 : vector<16xf32>
      %add3A_399 = arith.constant 1.000000e+00 : f32
      %add3A_400 = vector.broadcast %add3A_399 : f32 to vector<16xf32>
      %add3A_401 = arith.addf %add3A_400, %exp3A_398 : vector<16xf32>
      %div3A_402 = arith.constant 1.000000e+00 : f32
      %div3A_403 = vector.broadcast %div3A_402 : f32 to vector<16xf32>
      %div3A_404 = arith.divf %div3A_403, %add3A_401 : vector<16xf32>
      %mul3A_405 = arith.constant 4.000000e-01 : f32
      %mul3A_406 = vector.broadcast %mul3A_405 : f32 to vector<16xf32>
      %mul3A_407 = arith.mulf %mul3A_406, %div3A_404 : vector<16xf32>
      %get3A_408 = arith.index_cast %add3A_393 : i32 to index
      %get3A_409 = tpu.vector_load %arg14[%get3A_408] {strides = array<i32>} : memref<512xf32, #tpu.memory_space<vmem>>, vector<16xf32>,
      %neg3A_410 = arith.constant 0.000000e+00 : f32
      %neg3A_411 = vector.broadcast %neg3A_410 : f32 to vector<16xf32>
      %neg3A_412 = arith.subf %neg3A_411, %get3A_409 : vector<16xf32>
      %exp3A_413 = math.exp %neg3A_412 : vector<16xf32>
      %add3A_414 = arith.constant 1.000000e+00 : f32
      %add3A_415 = vector.broadcast %add3A_414 : f32 to vector<16xf32>
      %add3A_416 = arith.addf %add3A_415, %exp3A_413 : vector<16xf32>
      %div3A_417 = arith.constant 1.000000e+00 : f32
      %div3A_418 = vector.broadcast %div3A_417 : f32 to vector<16xf32>
      %div3A_419 = arith.divf %div3A_418, %add3A_416 : vector<16xf32>
      %mul3A_420 = arith.constant 4.000000e-01 : f32
      %mul3A_421 = vector.broadcast %mul3A_420 : f32 to vector<16xf32>
      %mul3A_422 = arith.mulf %mul3A_421, %div3A_419 : vector<16xf32>
      %sub3A = arith.constant 1.000000e+00 : f32
      %sub3A_423 = vector.broadcast %sub3A : f32 to vector<16xf32>
      %sub3A_424 = arith.subf %sub3A_423, %mul3A_407 : vector<16xf32>
      %mul3A_425 = arith.mulf %sub3A_424, %div3A_389 : vector<16xf32>
      %sub3A_426 = arith.constant 1.000000e+00 : f32
      %sub3A_427 = vector.broadcast %sub3A_426 : f32 to vector<16xf32>
      %sub3A_428 = arith.subf %sub3A_427, %div3A_389 : vector<16xf32>
      %mul3A_429 = arith.mulf %mul3A_422, %sub3A_428 : vector<16xf32>
      %add3A_430 = arith.addf %mul3A_425, %mul3A_429 : vector<16xf32>
      %swap3A = arith.index_cast %add3A_393 : i32 to index
      %swap3A_431 = tpu.vector_load %arg15[%swap3A] {strides = array<i32>} : memref<512xf32, #tpu.memory_space<vmem>>, vector<16xf32>,
      tpu.vector_store %arg15[%swap3A], %add3A_430 {strides = array<i32>} : memref<512xf32, #tpu.memory_space<vmem>>, vector<16xf32>,
    }
    %scan3A_274 = arith.constant 8 : i32
    %dma_start3A_275 = arith.constant 3 : i32
    %dma_start3A_276 = arith.constant 1 : i32
    %dma_start3A_277 = arith.constant 0 : i32
    %dma_start3A_278 = arith.constant 0 : i32
    %dma_start3A_279 = tpu.memref_slice %arg11[%dma_start3A_276, %dma_start3A_277, %dma_start3A_278] : memref<2x128x128xf32, #tpu.memory_space<vmem>> -> memref<1x128x128xf32, #tpu.memory_space<vmem>>
    %dma_start3A_280 = tpu.memref_squeeze %dma_start3A_279 : memref<1x128x128xf32, #tpu.memory_space<vmem>> -> memref<128x128xf32, #tpu.memory_space<vmem>>
    %dma_start3A_281 = arith.constant 0 : i32
    %dma_start3A_282 = tpu.memref_slice %arg9[%dma_start3A_275, %dma_start3A_281] : memref<4x128xi32, #tpu.memory_space<vmem>> -> memref<1x128xi32, #tpu.memory_space<vmem>>
    %dma_start3A_283 = tpu.memref_squeeze %dma_start3A_282 : memref<1x128xi32, #tpu.memory_space<vmem>> -> memref<128xi32, #tpu.memory_space<vmem>>
    %dma_start3A_284 = arith.constant 0 : i32
    %dma_start3A_285 = arith.constant 0 : i32
    %dma_start3A_286 = tpu.memref_slice %arg5[%dma_start3A_284, %dma_start3A_285] : memref<1000000x128xf32, #tpu.memory_space<hbm>> -> memref<1000000x128xf32, #tpu.memory_space<hbm>>
    tpu.enqueue_indirect_dma source(%dma_start3A_286 : memref<1000000x128xf32, #tpu.memory_space<hbm>>) target(%dma_start3A_280 : memref<128x128xf32, #tpu.memory_space<vmem>>) offsets(%dma_start3A_283 : memref<128xi32, #tpu.memory_space<vmem>>) semaphore(%arg17 : memref<!tpu.dma_semaphore, #tpu.memory_space<semaphore_mem>>)
    %add3A_287 = arith.constant 384 : i32
    %add3A_288 = arith.addi %mul3A_2, %add3A_287 : i32
    %dma_start3A_289 = arith.constant 1 : i32
    %dma_start3A_290 = arith.constant 0 : i32
    %dma_start3A_291 = arith.constant 0 : i32
    %dma_start3A_292 = tpu.memref_slice %arg12[%dma_start3A_289, %dma_start3A_290, %dma_start3A_291] : memref<2x128x128xf32, #tpu.memory_space<vmem>> -> memref<1x128x128xf32, #tpu.memory_space<vmem>>
    %dma_start3A_293 = tpu.memref_squeeze %dma_start3A_292 : memref<1x128x128xf32, #tpu.memory_space<vmem>> -> memref<128x128xf32, #tpu.memory_space<vmem>>
    %dma_start3A_294 = arith.constant 0 : i32
    %dma_start3A_295 = tpu.memref_slice %arg4[%add3A_288, %dma_start3A_294] : memref<16384x128xf32, #tpu.memory_space<hbm>> -> memref<128x128xf32, #tpu.memory_space<hbm>>
    %dma_start3A_296 = arith.constant 0 : i32
    %dma_start3A_297 = arith.constant 0 : i32
    %dma_start3A_298 = tpu.memref_slice %arg12[%dma_start3A_289, %dma_start3A_296, %dma_start3A_297] : memref<2x128x128xf32, #tpu.memory_space<vmem>> -> memref<1x128x128xf32, #tpu.memory_space<vmem>>
    %dma_start3A_299 = tpu.memref_squeeze %dma_start3A_298 : memref<1x128x128xf32, #tpu.memory_space<vmem>> -> memref<128x128xf32, #tpu.memory_space<vmem>>
    %dma_start3A_300 = arith.constant 0 : i32
    %dma_start3A_301 = tpu.memref_slice %arg4[%add3A_288, %dma_start3A_300] : memref<16384x128xf32, #tpu.memory_space<hbm>> -> memref<128x128xf32, #tpu.memory_space<hbm>>
    tpu.enqueue_dma source(%dma_start3A_301 : memref<128x128xf32, #tpu.memory_space<hbm>>) target(%dma_start3A_299 : memref<128x128xf32, #tpu.memory_space<vmem>>) target_semaphore(%arg17 : memref<!tpu.dma_semaphore, #tpu.memory_space<semaphore_mem>>)
    %dma_wait3A_302 = arith.constant 2 : i32
    %dma_wait3A_303 = arith.constant 0 : i32
    %dma_wait3A_304 = arith.constant 0 : i32
    %dma_wait3A_305 = arith.constant 0 : i32
    %dma_wait3A_306 = tpu.memref_slice %arg11[%dma_wait3A_303, %dma_wait3A_304, %dma_wait3A_305] : memref<2x128x128xf32, #tpu.memory_space<vmem>> -> memref<1x128x128xf32, #tpu.memory_space<vmem>>
    %dma_wait3A_307 = tpu.memref_squeeze %dma_wait3A_306 : memref<1x128x128xf32, #tpu.memory_space<vmem>> -> memref<128x128xf32, #tpu.memory_space<vmem>>
    %dma_wait3A_308 = arith.constant 0 : i32
    %dma_wait3A_309 = tpu.memref_slice %arg9[%dma_wait3A_302, %dma_wait3A_308] : memref<4x128xi32, #tpu.memory_space<vmem>> -> memref<1x128xi32, #tpu.memory_space<vmem>>
    %dma_wait3A_310 = tpu.memref_squeeze %dma_wait3A_309 : memref<1x128xi32, #tpu.memory_space<vmem>> -> memref<128xi32, #tpu.memory_space<vmem>>
    %dma_wait3A_311 = arith.constant 0 : i32
    %dma_wait3A_312 = arith.constant 0 : i32
    %dma_wait3A_313 = tpu.memref_slice %arg5[%dma_wait3A_311, %dma_wait3A_312] : memref<1000000x128xf32, #tpu.memory_space<hbm>> -> memref<1000000x128xf32, #tpu.memory_space<hbm>>
    tpu.wait_indirect_dma semaphore(%arg16 : memref<!tpu.dma_semaphore, #tpu.memory_space<semaphore_mem>>) src(%dma_wait3A_313 : memref<1000000x128xf32, #tpu.memory_space<hbm>>) dst(%dma_wait3A_307 : memref<128x128xf32, #tpu.memory_space<vmem>>)
    %dma_wait3A_314 = arith.constant 0 : i32
    %dma_wait3A_315 = arith.constant 0 : i32
    %dma_wait3A_316 = arith.constant 0 : i32
    %dma_wait3A_317 = tpu.memref_slice %arg12[%dma_wait3A_314, %dma_wait3A_315, %dma_wait3A_316] : memref<2x128x128xf32, #tpu.memory_space<vmem>> -> memref<1x128x128xf32, #tpu.memory_space<vmem>>
    %dma_wait3A_318 = tpu.memref_squeeze %dma_wait3A_317 : memref<1x128x128xf32, #tpu.memory_space<vmem>> -> memref<128x128xf32, #tpu.memory_space<vmem>>
    %dma_wait3A_319 = arith.constant 0 : i32
    %dma_wait3A_320 = tpu.memref_slice %arg4[%add3A_228, %dma_wait3A_319] : memref<16384x128xf32, #tpu.memory_space<hbm>> -> memref<128x128xf32, #tpu.memory_space<hbm>>
    %dma_wait3A_321 = arith.constant 0 : i32
    %dma_wait3A_322 = arith.constant 0 : i32
    %dma_wait3A_323 = tpu.memref_slice %arg12[%dma_wait3A_314, %dma_wait3A_321, %dma_wait3A_322] : memref<2x128x128xf32, #tpu.memory_space<vmem>> -> memref<1x128x128xf32, #tpu.memory_space<vmem>>
    %dma_wait3A_324 = tpu.memref_squeeze %dma_wait3A_323 : memref<1x128x128xf32, #tpu.memory_space<vmem>> -> memref<128x128xf32, #tpu.memory_space<vmem>>
    %dma_wait3A_325 = arith.constant 0 : i32
    %dma_wait3A_326 = tpu.memref_slice %arg4[%add3A_228, %dma_wait3A_325] : memref<16384x128xf32, #tpu.memory_space<hbm>> -> memref<128x128xf32, #tpu.memory_space<hbm>>
    tpu.wait_dma2 semaphore(%arg16 : memref<!tpu.dma_semaphore, #tpu.memory_space<semaphore_mem>>) src(%dma_wait3A_326 : memref<128x128xf32, #tpu.memory_space<hbm>>) dst(%dma_wait3A_324 : memref<128x128xf32, #tpu.memory_space<vmem>>)
    %scan3A_327 = arith.constant 0 : i32
    %scan3A_328 = arith.constant 0 : i32
    %scan3A_329 = arith.constant 0 : i32
    %scan3A_330 = arith.constant 0 : i32
    %scan3A_331 = arith.constant 8 : i32
    %scan3A_332 = arith.addi %scan3A_330, %scan3A_331 : i32
    %scan3A_333 = arith.constant 1 : i32
    scf.for %scan3A_368 = %scan3A_330 to %scan3A_332 step %scan3A_333  : i32 {
      %mul3A_369 = arith.constant 16 : i32
      %mul3A_370 = arith.muli %scan3A_368, %mul3A_369 : i32
      %add3A_371 = vector.broadcast %mul3A_370 : i32 to vector<16xi32>
      %add3A_372 = arith.addi %add3A_371, %iota3A : vector<16xi32>
      %broadcast_in_dim3A = arith.constant 0.000000e+00 : f32
      %broadcast_in_dim3A_373 = vector.broadcast %broadcast_in_dim3A : f32 to vector<16xf32>
      %parallel_loop3A = arith.constant 0 : i32
      %parallel_loop3A_374 = arith.constant 128 : i32
      %parallel_loop3A_375 = arith.constant 1 : i32
      %parallel_loop3A_376 = scf.for %parallel_loop3A_432 = %parallel_loop3A to %parallel_loop3A_374 step %parallel_loop3A_375 iter_args(%parallel_loop3A_433 = %broadcast_in_dim3A_373) -> (vector<16xf32>)  : i32 {
        %parallel_loop3A_434 = vector.broadcast %parallel_loop3A_432 : i32 to vector<16xi32>
        %parallel_loop3A_435 = arith.addi %parallel_loop3A_434, %iota3A : vector<16xi32>
        %parallel_loop3A_436 = arith.constant 127 : i32
        %parallel_loop3A_437 = vector.broadcast %parallel_loop3A_436 : i32 to vector<16xi32>
        %parallel_loop3A_438 = arith.andi %parallel_loop3A_435, %parallel_loop3A_437 : vector<16xi32>
        %parallel_loop3A_439 = arith.constant 0 : i32
        %parallel_loop3A_440 = arith.constant 0 : i32
        %parallel_loop3A_441 = tpu.memref_slice %arg11[%scan3A_328, %parallel_loop3A_439, %parallel_loop3A_440] : memref<2x128x128xf32, #tpu.memory_space<vmem>> -> memref<1x128x128xf32, #tpu.memory_space<vmem>>
        %parallel_loop3A_442 = tpu.memref_squeeze %parallel_loop3A_441 : memref<1x128x128xf32, #tpu.memory_space<vmem>> -> memref<128x128xf32, #tpu.memory_space<vmem>>
        %parallel_loop3A_443 = tpu.vector_load_idx %parallel_loop3A_442[%add3A_372, %parallel_loop3A_438] : memref<128x128xf32, #tpu.memory_space<vmem>>[vector<16xi32>, vector<16xi32>], vector<16xf32>,
        %parallel_loop3A_444 = arith.constant 0 : i32
        %parallel_loop3A_445 = arith.constant 0 : i32
        %parallel_loop3A_446 = tpu.memref_slice %arg12[%scan3A_329, %parallel_loop3A_444, %parallel_loop3A_445] : memref<2x128x128xf32, #tpu.memory_space<vmem>> -> memref<1x128x128xf32, #tpu.memory_space<vmem>>
        %parallel_loop3A_447 = tpu.memref_squeeze %parallel_loop3A_446 : memref<1x128x128xf32, #tpu.memory_space<vmem>> -> memref<128x128xf32, #tpu.memory_space<vmem>>
        %parallel_loop3A_448 = tpu.vector_load_idx %parallel_loop3A_447[%add3A_372, %parallel_loop3A_438] : memref<128x128xf32, #tpu.memory_space<vmem>>[vector<16xi32>, vector<16xi32>], vector<16xf32>,
        %parallel_loop3A_449 = arith.constant 0.000000e+00 : f32
        %parallel_loop3A_450 = vector.broadcast %parallel_loop3A_449 : f32 to vector<16xf32>
        %parallel_loop3A_451 = arith.subf %parallel_loop3A_450, %parallel_loop3A_443 : vector<16xf32>
        %parallel_loop3A_452 = math.exp %parallel_loop3A_451 : vector<16xf32>
        %parallel_loop3A_453 = arith.constant 1.000000e+00 : f32
        %parallel_loop3A_454 = vector.broadcast %parallel_loop3A_453 : f32 to vector<16xf32>
        %parallel_loop3A_455 = arith.subf %parallel_loop3A_454, %parallel_loop3A_452 : vector<16xf32>
        %parallel_loop3A_456 = arith.constant 1.000000e+00 : f32
        %parallel_loop3A_457 = vector.broadcast %parallel_loop3A_456 : f32 to vector<16xf32>
        %parallel_loop3A_458 = arith.addf %parallel_loop3A_457, %parallel_loop3A_452 : vector<16xf32>
        %parallel_loop3A_459 = arith.divf %parallel_loop3A_455, %parallel_loop3A_458 : vector<16xf32>
        %parallel_loop3A_460 = arith.mulf %parallel_loop3A_448, %parallel_loop3A_459 : vector<16xf32>
        %parallel_loop3A_461 = arith.addf %parallel_loop3A_433, %parallel_loop3A_460 : vector<16xf32>
        scf.yield %parallel_loop3A_461 : vector<16xf32>
      } {sc.loop_unroll_factor = 8 : i64, sc.parallel_access}
      %mul3A_377 = arith.constant 5.000000e-01 : f32
      %mul3A_378 = vector.broadcast %mul3A_377 : f32 to vector<16xf32>
      %mul3A_379 = arith.mulf %mul3A_378, %parallel_loop3A_376 : vector<16xf32>
      %mul3A_380 = arith.constant 2.000000e-02 : f32
      %mul3A_381 = vector.broadcast %mul3A_380 : f32 to vector<16xf32>
      %mul3A_382 = arith.mulf %mul3A_379, %mul3A_381 : vector<16xf32>
      %neg3A = arith.constant 0.000000e+00 : f32
      %neg3A_383 = vector.broadcast %neg3A : f32 to vector<16xf32>
      %neg3A_384 = arith.subf %neg3A_383, %mul3A_382 : vector<16xf32>
      %exp3A = math.exp %neg3A_384 : vector<16xf32>
      %add3A_385 = arith.constant 1.000000e+00 : f32
      %add3A_386 = vector.broadcast %add3A_385 : f32 to vector<16xf32>
      %add3A_387 = arith.addf %add3A_386, %exp3A : vector<16xf32>
      %div3A = arith.constant 1.000000e+00 : f32
      %div3A_388 = vector.broadcast %div3A : f32 to vector<16xf32>
      %div3A_389 = arith.divf %div3A_388, %add3A_387 : vector<16xf32>
      %mul3A_390 = arith.constant 16 : i32
      %mul3A_391 = arith.muli %scan3A_368, %mul3A_390 : i32
      %add3A_392 = arith.constant 256 : i32
      %add3A_393 = arith.addi %add3A_392, %mul3A_391 : i32
      %get3A = arith.index_cast %add3A_393 : i32 to index
      %get3A_394 = tpu.vector_load %arg13[%get3A] {strides = array<i32>} : memref<512xf32, #tpu.memory_space<vmem>>, vector<16xf32>,
      %neg3A_395 = arith.constant 0.000000e+00 : f32
      %neg3A_396 = vector.broadcast %neg3A_395 : f32 to vector<16xf32>
      %neg3A_397 = arith.subf %neg3A_396, %get3A_394 : vector<16xf32>
      %exp3A_398 = math.exp %neg3A_397 : vector<16xf32>
      %add3A_399 = arith.constant 1.000000e+00 : f32
      %add3A_400 = vector.broadcast %add3A_399 : f32 to vector<16xf32>
      %add3A_401 = arith.addf %add3A_400, %exp3A_398 : vector<16xf32>
      %div3A_402 = arith.constant 1.000000e+00 : f32
      %div3A_403 = vector.broadcast %div3A_402 : f32 to vector<16xf32>
      %div3A_404 = arith.divf %div3A_403, %add3A_401 : vector<16xf32>
      %mul3A_405 = arith.constant 4.000000e-01 : f32
      %mul3A_406 = vector.broadcast %mul3A_405 : f32 to vector<16xf32>
      %mul3A_407 = arith.mulf %mul3A_406, %div3A_404 : vector<16xf32>
      %get3A_408 = arith.index_cast %add3A_393 : i32 to index
      %get3A_409 = tpu.vector_load %arg14[%get3A_408] {strides = array<i32>} : memref<512xf32, #tpu.memory_space<vmem>>, vector<16xf32>,
      %neg3A_410 = arith.constant 0.000000e+00 : f32
      %neg3A_411 = vector.broadcast %neg3A_410 : f32 to vector<16xf32>
      %neg3A_412 = arith.subf %neg3A_411, %get3A_409 : vector<16xf32>
      %exp3A_413 = math.exp %neg3A_412 : vector<16xf32>
      %add3A_414 = arith.constant 1.000000e+00 : f32
      %add3A_415 = vector.broadcast %add3A_414 : f32 to vector<16xf32>
      %add3A_416 = arith.addf %add3A_415, %exp3A_413 : vector<16xf32>
      %div3A_417 = arith.constant 1.000000e+00 : f32
      %div3A_418 = vector.broadcast %div3A_417 : f32 to vector<16xf32>
      %div3A_419 = arith.divf %div3A_418, %add3A_416 : vector<16xf32>
      %mul3A_420 = arith.constant 4.000000e-01 : f32
      %mul3A_421 = vector.broadcast %mul3A_420 : f32 to vector<16xf32>
      %mul3A_422 = arith.mulf %mul3A_421, %div3A_419 : vector<16xf32>
      %sub3A = arith.constant 1.000000e+00 : f32
      %sub3A_423 = vector.broadcast %sub3A : f32 to vector<16xf32>
      %sub3A_424 = arith.subf %sub3A_423, %mul3A_407 : vector<16xf32>
      %mul3A_425 = arith.mulf %sub3A_424, %div3A_389 : vector<16xf32>
      %sub3A_426 = arith.constant 1.000000e+00 : f32
      %sub3A_427 = vector.broadcast %sub3A_426 : f32 to vector<16xf32>
      %sub3A_428 = arith.subf %sub3A_427, %div3A_389 : vector<16xf32>
      %mul3A_429 = arith.mulf %mul3A_422, %sub3A_428 : vector<16xf32>
      %add3A_430 = arith.addf %mul3A_425, %mul3A_429 : vector<16xf32>
      %swap3A = arith.index_cast %add3A_393 : i32 to index
      %swap3A_431 = tpu.vector_load %arg15[%swap3A] {strides = array<i32>} : memref<512xf32, #tpu.memory_space<vmem>>, vector<16xf32>,
      tpu.vector_store %arg15[%swap3A], %add3A_430 {strides = array<i32>} : memref<512xf32, #tpu.memory_space<vmem>>, vector<16xf32>,
    }
    %scan3A_334 = arith.constant 8 : i32
    %dma_wait3A_335 = arith.constant 3 : i32
    %dma_wait3A_336 = arith.constant 1 : i32
    %dma_wait3A_337 = arith.constant 0 : i32
    %dma_wait3A_338 = arith.constant 0 : i32
    %dma_wait3A_339 = tpu.memref_slice %arg11[%dma_wait3A_336, %dma_wait3A_337, %dma_wait3A_338] : memref<2x128x128xf32, #tpu.memory_space<vmem>> -> memref<1x128x128xf32, #tpu.memory_space<vmem>>
    %dma_wait3A_340 = tpu.memref_squeeze %dma_wait3A_339 : memref<1x128x128xf32, #tpu.memory_space<vmem>> -> memref<128x128xf32, #tpu.memory_space<vmem>>
    %dma_wait3A_341 = arith.constant 0 : i32
    %dma_wait3A_342 = tpu.memref_slice %arg9[%dma_wait3A_335, %dma_wait3A_341] : memref<4x128xi32, #tpu.memory_space<vmem>> -> memref<1x128xi32, #tpu.memory_space<vmem>>
    %dma_wait3A_343 = tpu.memref_squeeze %dma_wait3A_342 : memref<1x128xi32, #tpu.memory_space<vmem>> -> memref<128xi32, #tpu.memory_space<vmem>>
    %dma_wait3A_344 = arith.constant 0 : i32
    %dma_wait3A_345 = arith.constant 0 : i32
    %dma_wait3A_346 = tpu.memref_slice %arg5[%dma_wait3A_344, %dma_wait3A_345] : memref<1000000x128xf32, #tpu.memory_space<hbm>> -> memref<1000000x128xf32, #tpu.memory_space<hbm>>
    tpu.wait_indirect_dma semaphore(%arg17 : memref<!tpu.dma_semaphore, #tpu.memory_space<semaphore_mem>>) src(%dma_wait3A_346 : memref<1000000x128xf32, #tpu.memory_space<hbm>>) dst(%dma_wait3A_340 : memref<128x128xf32, #tpu.memory_space<vmem>>)
    %dma_wait3A_347 = arith.constant 1 : i32
    %dma_wait3A_348 = arith.constant 0 : i32
    %dma_wait3A_349 = arith.constant 0 : i32
    %dma_wait3A_350 = tpu.memref_slice %arg12[%dma_wait3A_347, %dma_wait3A_348, %dma_wait3A_349] : memref<2x128x128xf32, #tpu.memory_space<vmem>> -> memref<1x128x128xf32, #tpu.memory_space<vmem>>
    %dma_wait3A_351 = tpu.memref_squeeze %dma_wait3A_350 : memref<1x128x128xf32, #tpu.memory_space<vmem>> -> memref<128x128xf32, #tpu.memory_space<vmem>>
    %dma_wait3A_352 = arith.constant 0 : i32
    %dma_wait3A_353 = tpu.memref_slice %arg4[%add3A_288, %dma_wait3A_352] : memref<16384x128xf32, #tpu.memory_space<hbm>> -> memref<128x128xf32, #tpu.memory_space<hbm>>
    %dma_wait3A_354 = arith.constant 0 : i32
    %dma_wait3A_355 = arith.constant 0 : i32
    %dma_wait3A_356 = tpu.memref_slice %arg12[%dma_wait3A_347, %dma_wait3A_354, %dma_wait3A_355] : memref<2x128x128xf32, #tpu.memory_space<vmem>> -> memref<1x128x128xf32, #tpu.memory_space<vmem>>
    %dma_wait3A_357 = tpu.memref_squeeze %dma_wait3A_356 : memref<1x128x128xf32, #tpu.memory_space<vmem>> -> memref<128x128xf32, #tpu.memory_space<vmem>>
    %dma_wait3A_358 = arith.constant 0 : i32
    %dma_wait3A_359 = tpu.memref_slice %arg4[%add3A_288, %dma_wait3A_358] : memref<16384x128xf32, #tpu.memory_space<hbm>> -> memref<128x128xf32, #tpu.memory_space<hbm>>
    tpu.wait_dma2 semaphore(%arg17 : memref<!tpu.dma_semaphore, #tpu.memory_space<semaphore_mem>>) src(%dma_wait3A_359 : memref<128x128xf32, #tpu.memory_space<hbm>>) dst(%dma_wait3A_357 : memref<128x128xf32, #tpu.memory_space<vmem>>)
    %scan3A_360 = arith.constant 0 : i32
    %scan3A_361 = arith.constant 1 : i32
    %scan3A_362 = arith.constant 1 : i32
    %scan3A_363 = arith.constant 0 : i32
    %scan3A_364 = arith.constant 8 : i32
    %scan3A_365 = arith.addi %scan3A_363, %scan3A_364 : i32
    %scan3A_366 = arith.constant 1 : i32
    scf.for %scan3A_368 = %scan3A_363 to %scan3A_365 step %scan3A_366  : i32 {
      %mul3A_369 = arith.constant 16 : i32
      %mul3A_370 = arith.muli %scan3A_368, %mul3A_369 : i32
      %add3A_371 = vector.broadcast %mul3A_370 : i32 to vector<16xi32>
      %add3A_372 = arith.addi %add3A_371, %iota3A : vector<16xi32>
      %broadcast_in_dim3A = arith.constant 0.000000e+00 : f32
      %broadcast_in_dim3A_373 = vector.broadcast %broadcast_in_dim3A : f32 to vector<16xf32>
      %parallel_loop3A = arith.constant 0 : i32
      %parallel_loop3A_374 = arith.constant 128 : i32
      %parallel_loop3A_375 = arith.constant 1 : i32
      %parallel_loop3A_376 = scf.for %parallel_loop3A_432 = %parallel_loop3A to %parallel_loop3A_374 step %parallel_loop3A_375 iter_args(%parallel_loop3A_433 = %broadcast_in_dim3A_373) -> (vector<16xf32>)  : i32 {
        %parallel_loop3A_434 = vector.broadcast %parallel_loop3A_432 : i32 to vector<16xi32>
        %parallel_loop3A_435 = arith.addi %parallel_loop3A_434, %iota3A : vector<16xi32>
        %parallel_loop3A_436 = arith.constant 127 : i32
        %parallel_loop3A_437 = vector.broadcast %parallel_loop3A_436 : i32 to vector<16xi32>
        %parallel_loop3A_438 = arith.andi %parallel_loop3A_435, %parallel_loop3A_437 : vector<16xi32>
        %parallel_loop3A_439 = arith.constant 0 : i32
        %parallel_loop3A_440 = arith.constant 0 : i32
        %parallel_loop3A_441 = tpu.memref_slice %arg11[%scan3A_361, %parallel_loop3A_439, %parallel_loop3A_440] : memref<2x128x128xf32, #tpu.memory_space<vmem>> -> memref<1x128x128xf32, #tpu.memory_space<vmem>>
        %parallel_loop3A_442 = tpu.memref_squeeze %parallel_loop3A_441 : memref<1x128x128xf32, #tpu.memory_space<vmem>> -> memref<128x128xf32, #tpu.memory_space<vmem>>
        %parallel_loop3A_443 = tpu.vector_load_idx %parallel_loop3A_442[%add3A_372, %parallel_loop3A_438] : memref<128x128xf32, #tpu.memory_space<vmem>>[vector<16xi32>, vector<16xi32>], vector<16xf32>,
        %parallel_loop3A_444 = arith.constant 0 : i32
        %parallel_loop3A_445 = arith.constant 0 : i32
        %parallel_loop3A_446 = tpu.memref_slice %arg12[%scan3A_362, %parallel_loop3A_444, %parallel_loop3A_445] : memref<2x128x128xf32, #tpu.memory_space<vmem>> -> memref<1x128x128xf32, #tpu.memory_space<vmem>>
        %parallel_loop3A_447 = tpu.memref_squeeze %parallel_loop3A_446 : memref<1x128x128xf32, #tpu.memory_space<vmem>> -> memref<128x128xf32, #tpu.memory_space<vmem>>
        %parallel_loop3A_448 = tpu.vector_load_idx %parallel_loop3A_447[%add3A_372, %parallel_loop3A_438] : memref<128x128xf32, #tpu.memory_space<vmem>>[vector<16xi32>, vector<16xi32>], vector<16xf32>,
        %parallel_loop3A_449 = arith.constant 0.000000e+00 : f32
        %parallel_loop3A_450 = vector.broadcast %parallel_loop3A_449 : f32 to vector<16xf32>
        %parallel_loop3A_451 = arith.subf %parallel_loop3A_450, %parallel_loop3A_443 : vector<16xf32>
        %parallel_loop3A_452 = math.exp %parallel_loop3A_451 : vector<16xf32>
        %parallel_loop3A_453 = arith.constant 1.000000e+00 : f32
        %parallel_loop3A_454 = vector.broadcast %parallel_loop3A_453 : f32 to vector<16xf32>
        %parallel_loop3A_455 = arith.subf %parallel_loop3A_454, %parallel_loop3A_452 : vector<16xf32>
        %parallel_loop3A_456 = arith.constant 1.000000e+00 : f32
        %parallel_loop3A_457 = vector.broadcast %parallel_loop3A_456 : f32 to vector<16xf32>
        %parallel_loop3A_458 = arith.addf %parallel_loop3A_457, %parallel_loop3A_452 : vector<16xf32>
        %parallel_loop3A_459 = arith.divf %parallel_loop3A_455, %parallel_loop3A_458 : vector<16xf32>
        %parallel_loop3A_460 = arith.mulf %parallel_loop3A_448, %parallel_loop3A_459 : vector<16xf32>
        %parallel_loop3A_461 = arith.addf %parallel_loop3A_433, %parallel_loop3A_460 : vector<16xf32>
        scf.yield %parallel_loop3A_461 : vector<16xf32>
      } {sc.loop_unroll_factor = 8 : i64, sc.parallel_access}
      %mul3A_377 = arith.constant 5.000000e-01 : f32
      %mul3A_378 = vector.broadcast %mul3A_377 : f32 to vector<16xf32>
      %mul3A_379 = arith.mulf %mul3A_378, %parallel_loop3A_376 : vector<16xf32>
      %mul3A_380 = arith.constant 2.000000e-02 : f32
      %mul3A_381 = vector.broadcast %mul3A_380 : f32 to vector<16xf32>
      %mul3A_382 = arith.mulf %mul3A_379, %mul3A_381 : vector<16xf32>
      %neg3A = arith.constant 0.000000e+00 : f32
      %neg3A_383 = vector.broadcast %neg3A : f32 to vector<16xf32>
      %neg3A_384 = arith.subf %neg3A_383, %mul3A_382 : vector<16xf32>
      %exp3A = math.exp %neg3A_384 : vector<16xf32>
      %add3A_385 = arith.constant 1.000000e+00 : f32
      %add3A_386 = vector.broadcast %add3A_385 : f32 to vector<16xf32>
      %add3A_387 = arith.addf %add3A_386, %exp3A : vector<16xf32>
      %div3A = arith.constant 1.000000e+00 : f32
      %div3A_388 = vector.broadcast %div3A : f32 to vector<16xf32>
      %div3A_389 = arith.divf %div3A_388, %add3A_387 : vector<16xf32>
      %mul3A_390 = arith.constant 16 : i32
      %mul3A_391 = arith.muli %scan3A_368, %mul3A_390 : i32
      %add3A_392 = arith.constant 384 : i32
      %add3A_393 = arith.addi %add3A_392, %mul3A_391 : i32
      %get3A = arith.index_cast %add3A_393 : i32 to index
      %get3A_394 = tpu.vector_load %arg13[%get3A] {strides = array<i32>} : memref<512xf32, #tpu.memory_space<vmem>>, vector<16xf32>,
      %neg3A_395 = arith.constant 0.000000e+00 : f32
      %neg3A_396 = vector.broadcast %neg3A_395 : f32 to vector<16xf32>
      %neg3A_397 = arith.subf %neg3A_396, %get3A_394 : vector<16xf32>
      %exp3A_398 = math.exp %neg3A_397 : vector<16xf32>
      %add3A_399 = arith.constant 1.000000e+00 : f32
      %add3A_400 = vector.broadcast %add3A_399 : f32 to vector<16xf32>
      %add3A_401 = arith.addf %add3A_400, %exp3A_398 : vector<16xf32>
      %div3A_402 = arith.constant 1.000000e+00 : f32
      %div3A_403 = vector.broadcast %div3A_402 : f32 to vector<16xf32>
      %div3A_404 = arith.divf %div3A_403, %add3A_401 : vector<16xf32>
      %mul3A_405 = arith.constant 4.000000e-01 : f32
      %mul3A_406 = vector.broadcast %mul3A_405 : f32 to vector<16xf32>
      %mul3A_407 = arith.mulf %mul3A_406, %div3A_404 : vector<16xf32>
      %get3A_408 = arith.index_cast %add3A_393 : i32 to index
      %get3A_409 = tpu.vector_load %arg14[%get3A_408] {strides = array<i32>} : memref<512xf32, #tpu.memory_space<vmem>>, vector<16xf32>,
      %neg3A_410 = arith.constant 0.000000e+00 : f32
      %neg3A_411 = vector.broadcast %neg3A_410 : f32 to vector<16xf32>
      %neg3A_412 = arith.subf %neg3A_411, %get3A_409 : vector<16xf32>
      %exp3A_413 = math.exp %neg3A_412 : vector<16xf32>
      %add3A_414 = arith.constant 1.000000e+00 : f32
      %add3A_415 = vector.broadcast %add3A_414 : f32 to vector<16xf32>
      %add3A_416 = arith.addf %add3A_415, %exp3A_413 : vector<16xf32>
      %div3A_417 = arith.constant 1.000000e+00 : f32
      %div3A_418 = vector.broadcast %div3A_417 : f32 to vector<16xf32>
      %div3A_419 = arith.divf %div3A_418, %add3A_416 : vector<16xf32>
      %mul3A_420 = arith.constant 4.000000e-01 : f32
      %mul3A_421 = vector.broadcast %mul3A_420 : f32 to vector<16xf32>
      %mul3A_422 = arith.mulf %mul3A_421, %div3A_419 : vector<16xf32>
      %sub3A = arith.constant 1.000000e+00 : f32
      %sub3A_423 = vector.broadcast %sub3A : f32 to vector<16xf32>
      %sub3A_424 = arith.subf %sub3A_423, %mul3A_407 : vector<16xf32>
      %mul3A_425 = arith.mulf %sub3A_424, %div3A_389 : vector<16xf32>
      %sub3A_426 = arith.constant 1.000000e+00 : f32
      %sub3A_427 = vector.broadcast %sub3A_426 : f32 to vector<16xf32>
      %sub3A_428 = arith.subf %sub3A_427, %div3A_389 : vector<16xf32>
      %mul3A_429 = arith.mulf %mul3A_422, %sub3A_428 : vector<16xf32>
      %add3A_430 = arith.addf %mul3A_425, %mul3A_429 : vector<16xf32>
      %swap3A = arith.index_cast %add3A_393 : i32 to index
      %swap3A_431 = tpu.vector_load %arg15[%swap3A] {strides = array<i32>} : memref<512xf32, #tpu.memory_space<vmem>>, vector<16xf32>,
      tpu.vector_store %arg15[%swap3A], %add3A_430 {strides = array<i32>} : memref<512xf32, #tpu.memory_space<vmem>>, vector<16xf32>,
    }
    %scan3A_367 = arith.constant 8 : i32
    "tpu.region"() ({
      %run_scoped3A = tpu.sem_alloc : memref<!tpu.dma_semaphore, #tpu.memory_space<semaphore_mem>>
      %dma_start3A_368 = tpu.memref_slice %arg8[%mul3A_2] : memref<16384xf32, #tpu.memory_space<hbm>> -> memref<512xf32, #tpu.memory_space<hbm>>
      %dma_start3A_369 = tpu.memref_slice %arg8[%mul3A_2] : memref<16384xf32, #tpu.memory_space<hbm>> -> memref<512xf32, #tpu.memory_space<hbm>>
      tpu.enqueue_dma source(%arg15 : memref<512xf32, #tpu.memory_space<vmem>>) target(%dma_start3A_369 : memref<512xf32, #tpu.memory_space<hbm>>) target_semaphore(%run_scoped3A : memref<!tpu.dma_semaphore, #tpu.memory_space<semaphore_mem>>)
      %dma_wait3A_370 = tpu.memref_slice %arg8[%mul3A_2] : memref<16384xf32, #tpu.memory_space<hbm>> -> memref<512xf32, #tpu.memory_space<hbm>>
      %dma_wait3A_371 = tpu.memref_slice %arg8[%mul3A_2] : memref<16384xf32, #tpu.memory_space<hbm>> -> memref<512xf32, #tpu.memory_space<hbm>>
      tpu.wait_dma2 semaphore(%run_scoped3A : memref<!tpu.dma_semaphore, #tpu.memory_space<semaphore_mem>>) src(%arg15 : memref<512xf32, #tpu.memory_space<vmem>>) dst(%dma_wait3A_371 : memref<512xf32, #tpu.memory_space<hbm>>)
      tpu.yield
    }) : () -> ()
    return
  }
}

</mosaic_0001>

<sc_bundles>
// kernel: kernel.3.cloned.1.call-start
scs
__scs_entry_jumppad:
0x0: {  	(pc) =	sbr.rel $0x88, $3  }
0x1: {  	(tag) =	ssettag $0x0;
	lr =	simm.s32 $0x1  }
0x2: {  	[smem:$0x3F9B] =	sst lr;
	_ =	strace $0xD0000000  }
0x3: {  	_ = 	snop  }
0x4: {  	_ = 	snop  }
0x5: {  	_ = 	snop  }
0x6: {  	_ = 	snop  }
0x7: {  	_ = 	snop  }
__scs_overlays_trampoline_lowered:
0x8: {  	[smem:$0x3FAA] =	sst s0  }
0x9: {  	[smem:$0x3FAB] =	sst s1  }
0xa: {  	[smem:$0x3FAC] =	sst s2  }
0xb: {  	[smem:$0x3FAD] =	sst s3  }
0xc: {  	[smem:$0x3FAE] =	sst s4  }
0xd: {  	[smem:$0x3FAF] =	sst s5  }
0xe: {  	[smem:$0x3FB0] =	sst s6  }
0xf: {  	[smem:$0x3FB1] =	sst s7  }
0x10: {  	[smem:$0x3FB2] =	sst s8  }
0x11: {  	[smem:$0x3FB3] =	sst s9;
	s0 =	simm.s32 @!p0 $0x0  }
0x12: {  	s1 =	sld [smem:$0x3F99];
	s0 =	simm.s32 @p0 $0x1  }
0x13: {  	[smem:$0x3FB4] =	sst s0;
	s0 =	simm.s32 @!p1 $0x0  }
0x14: {  	s2 =	sld [smem:$0x3F98];
	s0 =	simm.s32 @p1 $0x1  }
0x15: {  	[smem:$0x3FB5] =	sst s0;
	s0 =	simm.s32 @!p2 $0x0  }
0x16: {  	s3 =	sld [smem:$0x3FDB];
	s0 =	simm.s32 @p2 $0x1  }
0x17: {  	s4 =	simm.s32 $0x1BF5;
	[smem:$0x3FB7] =	sst s0  }
0x18: {  	s0 =	sld [smem:$0x3F9A];
	_ =	swait.ge [sflag:s4], $0x0  }
0x19: {  	s7 =	sld [smem:$0x3F9B]  }
0x1a: {  	s8 =	sadd.s32 $0xFFFFE003, lr  }
0x1b: {  	s9 =	sadd.s32 $0xFFFFFEF7, lr;
	s5 =	simm.s32 $0xFFFFFFFF;
	p2 =	slt.u32 s8, $0xFFFFF086  }
0x1c: {  	p1 =	slt.u32 s9, $0xF7A;
	s5 =	simm.s32 @!p2 $0x0  }
0x1d: {  	s5 =	simm.s32 @p1 $0x1;
	p0 =	seq.s32 s7, s2  }
0x1e: {  	s7 =	smul.u32 @!p0 $0xF7A, s2;
	p2 =	seq.s32 @!p0 s5, $0x0  }
0x1f: {  	s9 =	smul.u32 $0xF7A, s1;
	s8 =	simm.s32 @!p0 $0x1BF5;
	p2 =	por !p2, p0  }
0x20: {  	[sflag:s8] =	ssyncset.s32 @!p0 $0xFFFFF086;
	s6 =	sadd.s32 @!p0 s3, s7;
	s7 =	simm.s32 @!p0 $0x108  }
0x21: {  	s3 =	sadd.s32 s3, s9;
	s6 =	sadd.s32 @!p0 $0x88, s6;
	s7 =	simm.s32 @p2 $0x1082  }
0x22: {  	[simem:s7], [sflag:s8] =	dma.local @!p0 [hbm:s6], $0xF7A  }
0x23: {  	s9 =	sor.u32 $0xD0000000, s2;
	s6 =	simm.s32 $0x108;
	_ =	swait.ge @!p0 [sflag:s8], $0x0  }
0x24: {  	s3 =	sadd.s32 $0x88, s3;
	s6 =	simm.s32 @!p1 $0x1082;
	[sflag:s4] =	ssyncset.s32 $0xFFFFF086  }
0x25: {  	[simem:s6], [sflag:s4] =	dma.local [hbm:s3], $0xF7A  }
0x26: {  	[smem:$0x3F9B] =	sst s1;
	(tag) =	ssettag s2;
	_ =	strace s9  }
0x27: {  	s1 =	sld [smem:$0x3FAB]  }
0x28: {  	s2 =	sld [smem:$0x3FAC]  }
0x29: {  	s4 =	sld [smem:$0x3FAE]  }
0x2a: {  	p0 =	seq.s32 s5, $0x0;
	s5 =	sld [smem:$0x3FAF]  }
0x2b: {  	s6 =	sld [smem:$0x3FB0]  }
0x2c: {  	s7 =	sld [smem:$0x3FB1]  }
0x2d: {  	s3 =	simm.s32 $0x108;
	s8 =	sld [smem:$0x3FB2]  }
0x2e: {  	s3 =	simm.s32 @!p0 $0x1082;
	s9 =	sld [smem:$0x3FB3]  }
0x2f: {  	lr =	sadd.s32 s0, s3;
	s0 =	sld [smem:$0x3FAA]  }
0x30: {  	s3 =	sld [smem:$0x3FAD]  }
0x31: {  	[smem:$0x3FB6] =	sst s10  }
0x32: {  	s10 =	sld [smem:$0x3FB4];
	_ =	sdelay $0x3  }
0x33: {  	p0 =	seq.s32 s10, $0x1;
	s10 =	sld [smem:$0x3FB6];
	_ =	sdelay $0x3  }
0x34: {  	[smem:$0x3FB6] =	sst s10  }
0x35: {  	s10 =	sld [smem:$0x3FB5];
	_ =	sdelay $0x3  }
0x36: {  	p1 =	seq.s32 s10, $0x1;
	s10 =	sld [smem:$0x3FB6];
	_ =	sdelay $0x3  }
0x37: {  	[smem:$0x3FB6] =	sst s10  }
0x38: {  	s10 =	sld [smem:$0x3FB7]  }
0x39: {  	_ = 	snop;
	(pc) =	sbr.ind lr, $3  }
0x3a: {  	_ = 	snop  }
0x3b: {  	_ = 	snop  }
0x3c: {  	p2 =	seq.s32 s10, $0x1;
	s10 =	sld [smem:$0x3FB6]  }
0x3d: {  	_ =	shalt  }
0x3e: {  	_ =	shalt  }
0x3f: {  	_ =	shalt  }
0x40: {  	_ =	shalt  }
0x41: {  	_ =	shalt  }
0x42: {  	_ =	shalt  }
0x43: {  	_ =	shalt  }
0x44: {  	_ =	shalt  }
0x45: {  	_ =	shalt  }
0x46: {  	_ =	shalt  }
0x47: {  	_ =	shalt  }
0x48: {  	_ =	shalt  }
0x49: {  	_ =	shalt  }
0x4a: {  	_ =	shalt  }
0x4b: {  	_ =	shalt  }
0x4c: {  	_ =	shalt  }
0x4d: {  	_ =	shalt  }
0x4e: {  	_ =	shalt  }
0x4f: {  	_ =	shalt  }
0x50: {  	_ =	shalt  }
0x51: {  	_ =	shalt  }
0x52: {  	_ =	shalt  }
0x53: {  	_ =	shalt  }
0x54: {  	_ =	shalt  }
0x55: {  	_ =	shalt  }
0x56: {  	_ =	shalt  }
0x57: {  	_ =	shalt  }
0x58: {  	_ =	shalt  }
0x59: {  	_ =	shalt  }
0x5a: {  	_ =	shalt  }
0x5b: {  	_ =	shalt  }
0x5c: {  	_ =	shalt  }
0x5d: {  	_ =	shalt  }
0x5e: {  	_ =	shalt  }
0x5f: {  	_ =	shalt  }
0x60: {  	_ =	shalt  }
0x61: {  	_ =	shalt  }
0x62: {  	_ =	shalt  }
0x63: {  	_ =	shalt  }
0x64: {  	_ =	shalt  }
0x65: {  	_ =	shalt  }
0x66: {  	_ =	shalt  }
0x67: {  	_ =	shalt  }
0x68: {  	_ =	shalt  }
0x69: {  	_ =	shalt  }
0x6a: {  	_ =	shalt  }
0x6b: {  	_ =	shalt  }
0x6c: {  	_ =	shalt  }
0x6d: {  	_ =	shalt  }
0x6e: {  	_ =	shalt  }
0x6f: {  	_ =	shalt  }
0x70: {  	_ =	shalt  }
0x71: {  	_ =	shalt  }
0x72: {  	_ =	shalt  }
0x73: {  	_ =	shalt  }
0x74: {  	_ =	shalt  }
0x75: {  	_ =	shalt  }
0x76: {  	_ =	shalt  }
0x77: {  	_ =	shalt  }
0x78: {  	_ =	shalt  }
0x79: {  	_ =	shalt  }
0x7a: {  	_ =	shalt  }
0x7b: {  	_ =	shalt  }
0x7c: {  	_ =	shalt  }
0x7d: {  	_ =	shalt  }
0x7e: {  	_ =	shalt  }
0x7f: {  	_ =	shalt  }
0x80: {  	_ =	shalt  }
0x81: {  	_ =	shalt  }
0x82: {  	_ =	shalt  }
0x83: {  	_ =	shalt  }
0x84: {  	_ =	shalt  }
0x85: {  	_ =	shalt  }
0x86: {  	_ =	shalt  }
0x87: {  	_ =	shalt  }
.Lfunc_end0:
.L_simem_size_0:
called_computation_lowered:
.L_overlay_start_0:
0x88: {  	s2 =	sld [smem:$0x3FD9]  }
0x89: {  	s3 =	sld [smem:$0x3FFE];
	_ =	sdelay $0x1  }
0x8a: {  	s1 =	srdreg.scid  }
0x8b: {  	s0 =	sand.u32 $0x1, s1  }
0x8c: {  	s17 =	sshll.u32 s0, $0xA;
	s2 =	sadd.s32 s3, s2  }
0x8d: {  	s2 =	sadd.s32 s2, s17  }
0x8e: {  	[smem:$0x3FC2] =	sst s2  }
0x8f: {  	_ = 	snop  }
0x90: {  	s2 =	sld [smem:$0x3FC9]  }
0x91: {  	s18 =	sld [smem:$0x3FC8]  }
0x92: {  	s4 =	sld [smem:$0x3FC7]  }
0x93: {  	s5 =	sld [smem:$0x3FC6]  }
0x94: {  	s6 =	sld [smem:$0x3FD0];
	(tm) =	ssettm $0x1  }
0x95: {  	s7 =	sld [smem:$0x3FFB];
	_ =	sdelay $0x3  }
0x96: {  	_ =	strace s7  }
0x97: {  	s7 =	sld [smem:$0x3FFC];
	_ =	sdelay $0x3  }
0x98: {  	_ =	strace s7  }
0x99: {  	s7 =	sld [smem:$0x3FFD];
	_ =	sdelay $0x3  }
0x9a: {  	_ =	strace s7  }
0x9b: {  	_ =	strace $0x8FFFFFFF  }
0x9c: {  	s19 =	sld [smem:$0x3FDB];
	_ =	sdelay $0x1  }
0x9d: {  	s8 =	simm.s32 $_scs_section_size  }
0x9e: {  	s9 =	simm.s32 $_size__tile_overlayer_lowered;
	s10 =	simm.s32 $_tile_overlayer_lowered  }
0x9f: {  	s22 =	simm.s32 $0x1BFF;
	s21 =	sshll.u32 s10, $0x1;
	s7 =	sadd.s32 s8, s19  }
0xa0: {  	s11 =	simm.s32 $0x0;
	s20 =	sshll.u32 s9, $0x1;
	s9 =	sadd.s32 s21, s7  }
0xa1: {  	[timem:s11], [sflag:s22] =	dma.local [hbm:s9], s20  }
0xa2: {  	_ =	swait.ge [sflag:s22], s20  }
0xa3: {  	s8 =	ssub.s32 $0x0, s20;
	[sflag:s22] =	ssyncset.done $0x0  }
0xa4: {  	[sflag:s22] =	ssyncadd.s32 s8;
	_ =	sdelay $0x1  }
0xa5: {  	s23 =	simm.s32 $0x1B8B  }
0xa6: {  	_ =	swait.ge [sflag:s23], $0x1  }
0xa7: {  	[sflag:s23] =	ssyncset.done $0x0  }
0xa8: {  	s25 =	simm.s32 $0x1B8E;
	s24 =	sld [smem:$0x3FFE];
	[sflag:s23] =	ssyncadd.s32 $0xFFFFFFFF  }
0xa9: {  	s26 =	simm.s32 $execute0_lowered;
	[smem:$0x3FD2] =	sst s25  }
0xaa: {  	s9 =	sshll.u32 s26, $0x1;
	_ =	strace $0x80000046;
	[dreg:$0x1] =	wrdreg $0xFFFFFFFF  }
0xab: {  	s28 =	simm.s32 $_size_execute0_lowered;
	s7 =	sadd.s32 s7, s9;
	[dreg:$0x0] =	wrdreg $0x0  }
0xac: {  	s9 =	sshll.u32 s28, $0x1;
	[dreg:$0x2] =	wrdreg s7  }
0xad: {  	[dreg:$0x3] =	wrdreg s9  }
0xae: {  	[dreg:$0x4] =	wrdreg $0xC0  }
0xaf: {  	_ =	task [dreg:s11], $0x5FFFF  }
0xb0: {  	[dreg:$0x1] =	wrdreg $0xFFFFFFFF  }
0xb1: {  	[dreg:$0x0] =	wrdreg $0x60  }
0xb2: {  	[dreg:$0x2] =	wrdreg s2  }
0xb3: {  	[dreg:$0x3] =	wrdreg s18  }
0xb4: {  	[dreg:$0x4] =	wrdreg s4  }
0xb5: {  	[dreg:$0x5] =	wrdreg s5  }
0xb6: {  	[dreg:$0x6] =	wrdreg s24  }
0xb7: {  	[dreg:$0x7] =	wrdreg s6  }
0xb8: {  	[dreg:$0x8] =	wrdreg $0x9  }
0xb9: {  	_ =	task.clear_ibuf [dreg:s11], $0x9FFFF;
	_ =	strace $0x90000046  }
0xba: {  	s29 =	simm.s32 $0x9;
	_ =	strace $0x80000048  }
0xbb: {  	_ =	swait.ge [sflag:s29], $0x1  }
0xbc: {  	[sflag:s29] =	ssyncadd.s32 $0xFFFFFFFF  }
0xbd: {  	_ =	strace $0x90000048  }
0xbe: {  	_ =	sfence  }
0xbf: {  	s30 =	sld [smem:$0x0];
	_ =	sdelay $0x2  }
0xc0: {  	s31 =	sshll.u32 s1, $0xD;
	s1 =	sshrl.u32 s1, $0x2  }
0xc1: {  	s3 =	sand.u32 $0x4000, s31;
	s1 =	sadd.s32 s1, s30  }
0xc2: {  	s0 =	sor.u32 s3, s0;
	s1 =	sshll.u32 s1, $0x11  }
0xc3: {  	s0 =	sor.u32 s1, s0  }
0xc4: {  	s0 =	sadd.s32 $0x8F2B, s0  }
0xc5: {  	[sflag:s0] =	ssyncadd.remote.s32 $0x1  }
0xc6: {  	_ =	sfence.sel $0xFFFF  }
0xc7: {  	[dreg:$0x0] =	wrdreg $0xFFFFFFFF;
	(pc) =	sbr.abs _section_cstart, $3  }
0xc8: {  	[dreg:$0x1] =	wrdreg $0xFFFFFFFF  }
0xc9: {  	_ =	task.clear_ibuf [dreg:s11], $0x2FFFF;
	_ =	strace $0x9FFFFFFF  }
0xca: {  	(tm) =	ssettm $0x7FFFFFFF  }
0xcb: {  	_ =	shalt  }
tec
execute0_lowered:
.L_overlay_start_1:
0x0: {  	(tag) =	ssettag $0x1  }
0x1: {  	s0 =	rddreg [dreg:$0x0]  }
0x2: {  	s2 =	rddreg [dreg:$0x1]  }
0x3: {  	s3 =	rddreg [dreg:$0x2]  }
0x4: {  	s1 =	rddreg [dreg:$0x3]  }
0x5: {  	s13 =	rddreg [dreg:$0x4]  }
0x6: {  	s18 =	rddreg [dreg:$0x5]  }
0x7: {  	s4 =	srdreg.scid;
	s6 =	stileid.u32  }
0x8: {  	s31 =	simm.s32 $0x80;
	s21 =	simm.s32 $0x4400;
	s22 =	simm.s32 $0xC400  }
0x9: {  	s23 =	simm.s32 $0x1;
	s24 =	simm.s32 $0x3;
	s30 =	simm.s32 $0x0  }
0xa: {  	s5 =	sand.u32 $0x1, s4;
	s4 =	simm.s32 $0x0;
	s6 =	sshll.u32 s6, $0xA  }
0xb: {  	s28 =	sadd.s32 $0x3200, s13;
	s9 =	sadd.s32 $0x3210, s13;
	s10 =	sadd.s32 $0x20, s13  }
0xc: {  	s11 =	sadd.s32 $0x3220, s13;
	s7 =	sshll.u32 s5, $0x9;
	[smem:$0x7FF] =	sst s4  }
0xd: {  	s8 =	ssub.s32 $0x2, s5;
	s12 =	sor.u32 s7, s6;
	_ =	strace $0x80000047  }
0xe: {  	s26 =	sshrl.u32 s8, $0x1;
	[dreg:$0x7] =	wrdreg s28;
	s19 =	sshrl.u32 s12, $0x3  }
0xf: {  	s20 =	ssub.s32 s8, s26;
	s8 =	sadd.s32 $0x10, s13;
	s29 =	sshll.u32 s12, $0x4  }
0x10: {  	s12 =	sadd.s32 $0x30, s13;
	s13 =	sadd.s32 $0x3230, s13;
	s26 =	simm.s32 $0x2  }
0x11: {  	s0 =	sadd.s32 s0, s19;
	s7 =	sadd.s32 s2, s19;
	s14 =	sadd.s32 s3, s29  }
0x12: {  	s18 =	sadd.s32 s18, s19;
	s19 =	smax.u32 s20, $0x1;
	s20 =	simm.s32 $0x4  }
0x13: {  	v0 =	vlaneseq.u32;
	s2 =	simm.s32 $0x8400;
	[dreg:$0x8] =	wrdreg s0;
	s15 =	sadd.s32 $0x800, s14  }
0x14: {  	v1 =	vmul.u32 $0x80, v0;
	s16 =	sadd.s32 $0x1000, s14;
	s17 =	sadd.s32 $0x1800, s14;
	s0 =	simm.s32 $0x400  }
.LBB2_1:
0x15: {  	s3 =	rddreg [dreg:$0x8]  }
0x16: {  	[tilespmem:s4], [sflag:$0x4] =	stream.linear.gather [hbm4b:s3+s4], $0x200, $0x38;
	[tilespmem:$0x10A00] =	vst v63  }
0x17: {  	_ =	swait.ge [sflag:s20], $0x200  }
0x18: {  	[sflag:s20] =	ssyncset.done $0x0  }
0x19: {  	s5 =	simm.s32 $0x200;
	[sflag:s20] =	ssyncadd.s32 $0xFFFFFE00  }
0x1a: {  	[tilespmem:s5], [sflag:$0x4] =	stream.linear.gather [hbm4b:s7+s4], $0x200, $0x38;
	[tilespmem:$0x10A00] =	vst v63  }
0x1b: {  	_ =	swait.ge [sflag:s20], $0x200  }
0x1c: {  	[sflag:s20] =	ssyncset.done $0x0  }
0x1d: {  	[sflag:s20] =	ssyncadd.s32 $0xFFFFFE00  }
0x1e: {  	s5 =	simm.s32 $0x10400;
	s6 =	rddreg [dreg:$0x4]  }
0x1f: {  	[tilespmem:s5], [sflag:$0x3] =	stream.linear.gather [hbm4b:s6+s4], $0x80, $0x38;
	[tilespmem:$0x10A00] =	vst v63  }
0x20: {  	s28 =	simm.s32 $0x10600;
	s25 =	rddreg [dreg:$0x7]  }
0x21: {  	[tilespmem:s28], [sflag:$0x3] =	stream.linear.gather [hbm4b:s25+s4], $0x80, $0x38;
	[tilespmem:$0x10A00] =	vst v63  }
0x22: {  	s29 =	simm.s32 $0x10480  }
0x23: {  	[tilespmem:s29], [sflag:$0x3] =	stream.linear.gather [hbm4b:s8+s4], $0x80, $0x38;
	[tilespmem:$0x10A00] =	vst v63  }
0x24: {  	s5 =	simm.s32 $0x10680  }
0x25: {  	[tilespmem:s5], [sflag:$0x3] =	stream.linear.gather [hbm4b:s9+s4], $0x80, $0x38;
	[tilespmem:$0x10A00] =	vst v63  }
0x26: {  	s6 =	simm.s32 $0x10500  }
0x27: {  	[tilespmem:s6], [sflag:$0x3] =	stream.linear.gather [hbm4b:s10+s4], $0x80, $0x38;
	[tilespmem:$0x10A00] =	vst v63  }
0x28: {  	s25 =	simm.s32 $0x10700  }
0x29: {  	[tilespmem:s25], [sflag:$0x3] =	stream.linear.gather [hbm4b:s11+s4], $0x80, $0x38;
	[tilespmem:$0x10A00] =	vst v63  }
0x2a: {  	s28 =	simm.s32 $0x10580  }
0x2b: {  	[tilespmem:s28], [sflag:$0x3] =	stream.linear.gather [hbm4b:s12+s4], $0x80, $0x38;
	[tilespmem:$0x10A00] =	vst v63  }
0x2c: {  	s29 =	simm.s32 $0x10780  }
0x2d: {  	[tilespmem:s29], [sflag:$0x3] =	stream.linear.gather [hbm4b:s13+s4], $0x80, $0x38;
	[tilespmem:$0x10A00] =	vst v63  }
0x2e: {  	_ = 	snop  }
0x2f: {  	[tilespmem:s0], [sflag:$0x1] =	stream.indirect.gather [hbm4b:s1+s31], $0x80, s4, s31, $0xb8;
	[tilespmem:$0x10A00] =	vst v63  }
0x30: {  	_ = 	snop  }
0x31: {  	[tilespmem:s2], [sflag:$0x1] =	stream.linear.gather [hbm4b:s14+s4], $0x4000, $0x38;
	[tilespmem:$0x10A00] =	vst v63  }
0x32: {  	_ = 	snop  }
0x33: {  	[tilespmem:s21], [sflag:$0x2] =	stream.indirect.gather [hbm4b:s1+s31], $0x80, s31, s31, $0xb8;
	[tilespmem:$0x10A00] =	vst v63  }
0x34: {  	_ = 	snop  }
0x35: {  	[tilespmem:s22], [sflag:$0x2] =	stream.linear.gather [hbm4b:s15+s4], $0x4000, $0x38;
	[tilespmem:$0x10A00] =	vst v63  }
0x36: {  	_ =	swait.ge [sflag:s23], $0x4000  }
0x37: {  	[sflag:s23] =	ssyncset.done $0x0  }
0x38: {  	[sflag:s23] =	ssyncadd.s32 $0xFFFFC000  }
0x39: {  	_ =	swait.ge [sflag:s23], $0x4000  }
0x3a: {  	[sflag:s23] =	ssyncset.done $0x0  }
0x3b: {  	[sflag:s23] =	ssyncadd.s32 $0xFFFFC000  }
0x3c: {  	_ =	swait.ge [sflag:s24], $0x80  }
0x3d: {  	[sflag:s24] =	ssyncset.done $0x0  }
0x3e: {  	[sflag:s24] =	ssyncadd.s32 $0xFFFFFF80  }
0x3f: {  	_ =	swait.ge [sflag:s24], $0x80  }
0x40: {  	[sflag:s24] =	ssyncset.done $0x0  }
0x41: {  	[sflag:s24] =	ssyncadd.s32 $0xFFFFFF80  }
0x42: {  	_ =	swait.ge [sflag:s24], $0x80  }
0x43: {  	[sflag:s24] =	ssyncset.done $0x0  }
0x44: {  	[sflag:s24] =	ssyncadd.s32 $0xFFFFFF80  }
0x45: {  	_ =	swait.ge [sflag:s24], $0x80  }
0x46: {  	[sflag:s24] =	ssyncset.done $0x0  }
0x47: {  	[sflag:s24] =	ssyncadd.s32 $0xFFFFFF80  }
0x48: {  	_ =	swait.ge [sflag:s24], $0x80  }
0x49: {  	[sflag:s24] =	ssyncset.done $0x0  }
0x4a: {  	[sflag:s24] =	ssyncadd.s32 $0xFFFFFF80  }
0x4b: {  	_ =	swait.ge [sflag:s24], $0x80  }
0x4c: {  	[sflag:s24] =	ssyncset.done $0x0  }
0x4d: {  	[sflag:s24] =	ssyncadd.s32 $0xFFFFFF80  }
0x4e: {  	_ =	swait.ge [sflag:s24], $0x80  }
0x4f: {  	[sflag:s24] =	ssyncset.done $0x0  }
0x50: {  	[sflag:s24] =	ssyncadd.s32 $0xFFFFFF80  }
0x51: {  	_ =	swait.ge [sflag:s24], $0x80  }
0x52: {  	[sflag:s24] =	ssyncset.done $0x0  }
0x53: {  	s25 =	simm.s32 $0x0;
	[sflag:s24] =	ssyncadd.s32 $0xFFFFFF80  }
.LBB2_2:
0x54: {  	s28 =	sshll.u32 s25, $0x4  }
0x55: {  	s3 =	simm.s32 $0x0;
	v2 =	vmov s28  }
0x56: {  	v4 =	vadd.s32 s3, v0;
	v2 =	vshll.u32 v2, $0x7  }
0x57: {  	s6 =	simm.s32 $0x1;
	v3 =	vor.u32 v1, v2;
	v2 =	vand.u32 $0x7F, v4  }
0x58: {  	v6 =	vor.u32 v3, v2;
	v2 =	vadd.s32 s6, v0  }
0x59: {  	s5 =	simm.s32 $0x2;
	v2 =	vand.u32 $0x7F, v2  }
0x5a: {  	v4 =	vadd.s32 s5, v0;
	v11 =	vor.u32 v3, v2  }
0x5b: {  	s6 =	simm.s32 $0x3;
	v2 =	vand.u32 $0x7F, v4  }
0x5c: {  	v4 =	vadd.s32 s6, v0;
	v5 =	vor.u32 v3, v2  }
0x5d: {  	s5 =	simm.s32 $0x4;
	v2 =	vand.u32 $0x7F, v4;
	v4 =	vld.idx.msk [tilespmem:v6+s0+$0x0], $0xffff  }
0x5e: {  	v10 =	vor.u32 v3, v2;
	v2 =	vadd.s32 s5, v0  }
0x5f: {  	s6 =	simm.s32 $0x5;
	v2 =	vand.u32 $0x7F, v2;
	v8 =	vld.idx.msk [tilespmem:v11+s0+$0x0], $0xffff  }
0x60: {  	s29 =	simm.s32 $0x6;
	v7 =	vadd.s32 s6, v0;
	v9 =	vor.u32 v3, v2  }
0x61: {  	v7 =	vand.u32 $0x7F, v7;
	v2 =	vadd.s32 s29, v0;
	v12 =	vld.idx.msk [tilespmem:v5+s0+$0x0], $0xffff  }
0x62: {  	s5 =	simm.s32 $0x7;
	v7 =	vor.u32 v3, v7;
	v2 =	vand.u32 $0x7F, v2;
	v13 =	vsub.f32 $0.0e+00, v4  }
0x63: {  	v14 =	vadd.s32 s5, v0;
	v15 =	vld.idx.msk [tilespmem:v10+s0+$0x0], $0xffff;
	v4 =	vor.u32 v3, v2  }
0x64: {  	v2 =	vand.u32 $0x7F, v14;
	v13 =	vmul.f32 $1.442695020e+00, v13;
	v8 =	vsub.f32 $0.0e+00, v8  }
0x65: {  	v2 =	vor.u32 v3, v2;
	v14 =	vld.idx.msk [tilespmem:v9+s0+$0x0], $0xffff  }
0x66: {  	v12 =	vsub.f32 $0.0e+00, v12;
	v8 =	vmul.f32 $1.442695020e+00, v8;
	(erf) = vpow2.f32 v13  }
0x67: {  	v13 =	vld.idx.msk [tilespmem:v7+s0+$0x0], $0xffff  }
0x68: {  	v15 =	vsub.f32 $0.0e+00, v15;
	v12 =	vmul.f32 $1.442695020e+00, v12;
	v16 =	vld.idx.msk [tilespmem:v4+s0+$0x0], $0xffff;
	(erf) = vpow2.f32 v8;
	_ =	sdelay $0x1  }
0x69: {  	s29 =	simm.s32 $0xE;
	v8 =	vmul.f32 $1.442695020e+00, v15;
	v14 =	vsub.f32 $0.0e+00, v14;
	v15 =	vld.idx.msk [tilespmem:v2+s0+$0x0], $0xffff;
	(erf) = vpow2.f32 v12  }
0x6a: {  	v19 =	vadd.s32 s29, v0  }
0x6b: {  	s29 =	simm.s32 $0xB;
	v14 =	vmul.f32 $1.442695020e+00, v14;
	(erf) = vpow2.f32 v8;
	v13 =	vsub.f32 $0.0e+00, v13  }
0x6c: {  	s6 =	simm.s32 $0x8;
	v21 =	vadd.s32 s29, v0;
	v12 =	vimm.f32 $0.0e+00;
	v18 =	vsub.f32 $0.0e+00, v16  }
0x6d: {  	v8 =	vadd.s32 s6, v0;
	s6 =	simm.s32 $0xD;
	(erf) = vpow2.f32 v14;
	v13 =	vmul.f32 $1.442695020e+00, v13  }
0x6e: {  	v17 =	vadd.s32 s6, v0;
	v14 =	vmul.f32 $1.442695020e+00, v18;
	v18 =	vsub.f32 $0.0e+00, v15;
	v20 =	vpop (erf)  }
0x6f: {  	v8 =	vand.u32 $0x7F, v8;
	(erf) = vpow2.f32 v13;
	v22 =	vadd.f32 $1.000000000e+00, v20  }
0x70: {  	v13 =	vor.u32 v3, v8;
	v18 =	vmul.f32 $1.442695020e+00, v18;
	(erf) = vpow2.f32 v14;
	v15 =	vpop (erf)  }
0x71: {  	s5 =	simm.s32 $0xF;
	v8 =	vand.u32 $0x7F, v21;
	v24 =	vadd.f32 $1.000000000e+00, v15;
	(erf) = vrcp.f32 v22  }
0x72: {  	v16 =	vadd.s32 s5, v0;
	s5 =	simm.s32 $0xA;
	v8 =	vor.u32 v3, v8;
	v14 =	vpop (erf);
	(erf) = vpow2.f32 v18  }
0x73: {  	s29 =	simm.s32 $0xC;
	s6 =	simm.s32 $0x9;
	v22 =	vadd.s32 s5, v0;
	v23 =	vadd.f32 $1.000000000e+00, v14;
	(erf) = vrcp.f32 v24  }
0x74: {  	v18 =	vadd.s32 s6, v0;
	v21 =	vpop (erf);
	v24 =	vand.u32 $0x7F, v22;
	v22 =	vadd.s32 s29, v0;
	s29 =	simm.s32 $0x10  }
.LBB2_3:
0x75: {  	p0 =	slt.u32 s29, $0x78;
	v24 =	vor.u32 v3, v24;
	v29 =	vadd.f32 $1.000000000e+00, v21;
	(erf) = vrcp.f32 v23  }
0x76: {  	v18 =	vand.u32 $0x7F, v18;
	v19 =	vand.u32 $0x7F, v19;
	v16 =	vand.u32 $0x7F, v16;
	v23 =	vld.idx.msk [tilespmem:v13+s0+$0x0], $0xffff;
	v26 =	vpop (erf)  }
0x77: {  	v18 =	vor.u32 v3, v18;
	v27 =	vld.idx.msk [tilespmem:v6+s2+$0x0], $0xffff;
	v30 =	vadd.f32 $1.000000000e+00, v26;
	(erf) = vrcp.f32 v29;
	v6 =	vmovc v13  }
0x78: {  	v22 =	vand.u32 $0x7F, v22;
	v17 =	vand.u32 $0x7F, v17;
	v16 =	vor.u32 v3, v16;
	v13 =	vld.idx.msk [tilespmem:v8+s0+$0x0], $0xffff;
	v25 =	vpop (erf)  }
0x79: {  	v20 =	vsub.f32 $1.000000000e+00, v20;
	v11 =	vld.idx.msk [tilespmem:v11+s2+$0x0], $0xffff;
	v33 =	vadd.f32 $1.000000000e+00, v25;
	(erf) = vrcp.f32 v30;
	v28 =	vpop (erf)  }
0x7a: {  	v22 =	vor.u32 v3, v22;
	v17 =	vor.u32 v3, v17;
	v30 =	vld.idx.msk [tilespmem:v24+s0+$0x0], $0xffff;
	v31 =	vadd.f32 $1.000000000e+00, v28;
	v32 =	vpop (erf)  }
0x7b: {  	v15 =	vsub.f32 $1.000000000e+00, v15;
	v20 =	vmul.f32 v32, v20;
	v32 =	vld.idx.msk [tilespmem:v5+s2+$0x0], $0xffff;
	(erf) = vrcp.f32 v33;
	v29 =	vpop (erf)  }
0x7c: {  	v23 =	vsub.f32 $0.0e+00, v23;
	v33 =	vld.idx.msk [tilespmem:v18+s0+$0x0], $0xffff;
	v34 =	vadd.f32 $1.000000000e+00, v29;
	v5 =	vpop (erf);
	(erf) = vrcp.f32 v31  }
0x7d: {  	v14 =	vsub.f32 $1.000000000e+00, v14;
	v20 =	vmul.f32 v20, v27;
	v15 =	vmul.f32 v5, v15;
	v10 =	vld.idx.msk [tilespmem:v10+s2+$0x0], $0xffff;
	v5 =	vmovc v24  }
0x7e: {  	v21 =	vsub.f32 $1.000000000e+00, v21;
	v13 =	vsub.f32 $0.0e+00, v13;
	v24 =	vpop (erf);
	(erf) = vrcp.f32 v34  }
0x7f: {  	v12 =	vadd.f32 v20, v12;
	v11 =	vmul.f32 v15, v11;
	v14 =	vmul.f32 v24, v14;
	v9 =	vld.idx.msk [tilespmem:v9+s2+$0x0], $0xffff  }
0x80: {  	v19 =	vor.u32 v3, v19;
	v15 =	vsub.f32 $0.0e+00, v30;
	v20 =	vsub.f32 $1.000000000e+00, v26;
	v24 =	vpop (erf)  }
0x81: {  	v11 =	vadd.f32 v11, v12;
	v12 =	vmul.f32 v14, v32;
	v14 =	vmul.f32 v24, v21;
	v7 =	vld.idx.msk [tilespmem:v7+s2+$0x0], $0xffff  }
0x82: {  	v30 =	vsub.f32 $1.000000000e+00, v25;
	v21 =	vmul.f32 $1.442695020e+00, v23;
	v27 =	vsub.f32 $0.0e+00, v33;
	v24 =	vld.idx.msk [tilespmem:v22+s0+$0x0], $0xffff;
	v26 =	vpop (erf)  }
0x83: {  	v31 =	vadd.f32 v12, v11;
	v10 =	vmul.f32 v14, v10;
	v12 =	vmul.f32 v26, v20;
	v4 =	vld.idx.msk [tilespmem:v4+s2+$0x0], $0xffff  }
0x84: {  	v14 =	vmul.f32 $1.442695020e+00, v27;
	v27 =	vsub.f32 $1.000000000e+00, v28;
	v20 =	vld.idx.msk [tilespmem:v17+s0+$0x0], $0xffff;
	(erf) = vpow2.f32 v21;
	v23 =	vpop (erf)  }
0x85: {  	v10 =	vadd.f32 v10, v31;
	v28 =	vmul.f32 v12, v9;
	v12 =	vmul.f32 v23, v30;
	v23 =	vld.idx.msk [tilespmem:v2+s2+$0x0], $0xffff;
	v25 =	vpop (erf)  }
0x86: {  	v15 =	vmul.f32 $1.442695020e+00, v15;
	v11 =	vmovc v18;
	v2 =	vmovc v16;
	v26 =	vld.idx.msk [tilespmem:v19+s0+$0x0], $0xffff;
	(erf) = vpow2.f32 v14;
	v14 =	vsub.f32 $1.000000000e+00, v29  }
0x87: {  	v18 =	vmul.f32 v25, v27;
	v28 =	vadd.f32 v28, v10;
	v12 =	vmul.f32 v12, v7;
	v21 =	vpop (erf)  }
0x88: {  	v13 =	vmul.f32 $1.442695020e+00, v13;
	v9 =	vmovc v22;
	v24 =	vsub.f32 $0.0e+00, v24;
	v7 =	vmovc v17;
	v25 =	vld.idx.msk [tilespmem:v16+s0+$0x0], $0xffff;
	(erf) = vpow2.f32 v15  }
0x89: {  	v15 =	vmul.f32 v18, v4;
	v14 =	vmul.f32 v21, v14;
	v4 =	vmovc v19;
	v12 =	vadd.f32 v12, v28  }
0x8a: {  	v18 =	vadd.s32 s29, v0;
	v17 =	vmul.f32 $1.442695020e+00, v24;
	v21 =	vsub.f32 $0.0e+00, v20;
	v10 =	vmovc v8  }
0x8b: {  	s3 =	sadd.s32 $0x6, s29;
	s5 =	sadd.s32 $0x7, s29;
	(erf) = vpow2.f32 v13;
	v8 =	vadd.f32 v15, v12;
	v12 =	vmul.f32 v14, v23  }
0x8c: {  	v19 =	vadd.s32 s3, v0;
	v16 =	vadd.s32 s5, v0;
	v13 =	vsub.f32 $0.0e+00, v26  }
0x8d: {  	s3 =	sadd.s32 $0x5, s29;
	v14 =	vmul.f32 $1.442695020e+00, v21;
	v20 =	vpop (erf);
	(erf) = vpow2.f32 v17;
	v12 =	vadd.f32 v12, v8  }
0x8e: {  	s5 =	sadd.s32 $0x3, s29;
	v17 =	vadd.s32 s3, v0;
	v8 =	vmul.f32 $1.442695020e+00, v13;
	v13 =	vsub.f32 $0.0e+00, v25  }
0x8f: {  	v21 =	vadd.s32 s5, v0;
	v22 =	vadd.f32 $1.000000000e+00, v20;
	v15 =	vpop (erf);
	(erf) = vpow2.f32 v14  }
.Ltmp0:
0x90: {  	v23 =	vand.u32 $0x7F, v18;
	v18 =	vmul.f32 $1.442695020e+00, v13;
	(erf) = vpow2.f32 v8;
	(pc) =	sbr.rel @p0 .LBB2_3-.Ltmp0, $4  }
0x91: {  	s3 =	sadd.s32 $0x2, s29;
	v13 =	vor.u32 v3, v23;
	v24 =	vadd.f32 $1.000000000e+00, v15;
	(erf) = vrcp.f32 v22;
	v14 =	vpop (erf)  }
0x92: {  	v8 =	vand.u32 $0x7F, v21;
	v22 =	vadd.s32 s3, v0;
	(erf) = vpow2.f32 v18  }
0x93: {  	s5 =	sadd.s32 $0x4, s29;
	s3 =	sadd.s32 $0x1, s29;
	v8 =	vor.u32 v3, v8;
	v23 =	vadd.f32 $1.000000000e+00, v14;
	(erf) = vrcp.f32 v24  }
0x94: {  	s29 =	sadd.s32 $0x8, s29;
	v18 =	vadd.s32 s3, v0;
	v24 =	vand.u32 $0x7F, v22;
	v22 =	vadd.s32 s5, v0;
	v21 =	vpop (erf)  }
0x95: {  	v18 =	vand.u32 $0x7F, v18  }
0x96: {  	v25 =	vor.u32 v3, v18;
	_ =	sdelay $0x1  }
0x97: {  	v18 =	vor.u32 v3, v24  }
0x98: {  	v50 =	vld.idx.msk [tilespmem:v13+s0+$0x0], $0xffff  }
0x99: {  	v26 =	vadd.f32 $1.000000000e+00, v21;
	(erf) = vrcp.f32 v23;
	v51 =	vpop (erf)  }
0x9a: {  	v19 =	vand.u32 $0x7F, v19;
	v22 =	vand.u32 $0x7F, v22;
	v30 =	vand.u32 $0x7F, v16;
	v28 =	vpop (erf);
	v29 =	vld.idx.msk [tilespmem:v25+s0+$0x0], $0xffff  }
0x9b: {  	v17 =	vand.u32 $0x7F, v17;
	v16 =	vor.u32 v3, v22;
	v27 =	vadd.f32 $1.000000000e+00, v51;
	v52 =	vpop (erf)  }
0x9c: {  	v17 =	vor.u32 v3, v17;
	(erf) = vrcp.f32 v26;
	v53 =	vadd.f32 $1.000000000e+00, v28;
	v31 =	vpop (erf);
	v54 =	vld.idx.msk [tilespmem:v18+s0+$0x0], $0xffff  }
0x9d: {  	(erf) = vrcp.f32 v27;
	v32 =	vadd.f32 $1.000000000e+00, v52;
	v24 =	vsub.f32 $0.0e+00, v50;
	v33 =	vpop (erf)  }
0x9e: {  	v34 =	vld.idx.msk [tilespmem:v8+s0+$0x0], $0xffff;
	v19 =	vor.u32 v3, v19;
	(erf) = vrcp.f32 v53;
	v55 =	vadd.f32 $1.000000000e+00, v33  }
0x9f: {  	v6 =	vld.idx.msk [tilespmem:v6+s2+$0x0], $0xffff;
	(erf) = vrcp.f32 v32;
	v24 =	vmul.f32 $1.442695020e+00, v24;
	v29 =	vsub.f32 $0.0e+00, v29  }
0xa0: {  	v20 =	vsub.f32 $1.000000000e+00, v20;
	v3 =	vor.u32 v3, v30;
	v56 =	vld.idx.msk [tilespmem:v16+s0+$0x0], $0xffff;
	(erf) = vrcp.f32 v55  }
0xa1: {  	v11 =	vld.idx.msk [tilespmem:v11+s2+$0x0], $0xffff;
	(erf) = vpow2.f32 v24;
	v27 =	vsub.f32 $0.0e+00, v54;
	v29 =	vmul.f32 $1.442695020e+00, v29  }
0xa2: {  	v15 =	vsub.f32 $1.000000000e+00, v15;
	v14 =	vsub.f32 $1.000000000e+00, v14;
	v57 =	vld.idx.msk [tilespmem:v17+s0+$0x0], $0xffff  }
0xa3: {  	v59 =	vsub.f32 $0.0e+00, v34;
	v60 =	vld.idx.msk [tilespmem:v19+s0+$0x0], $0xffff;
	v58 =	vpop (erf);
	v27 =	vmul.f32 $1.442695020e+00, v27;
	(erf) = vpow2.f32 v29  }
0xa4: {  	v5 =	vld.idx.msk [tilespmem:v5+s2+$0x0], $0xffff;
	v35 =	vsub.f32 $1.000000000e+00, v21;
	v23 =	vsub.f32 $1.000000000e+00, v51;
	v20 =	vmul.f32 v31, v20;
	v61 =	vpop (erf)  }
0xa5: {  	v34 =	vld.idx.msk [tilespmem:v3+s0+$0x0], $0xffff;
	v63 =	vmul.f32 $1.442695020e+00, v59;
	v62 =	vpop (erf);
	v22 =	vsub.f32 $0.0e+00, v56;
	(erf) = vpow2.f32 v27  }
0xa6: {  	v45 =	vsub.f32 $1.000000000e+00, v28;
	v6 =	vmul.f32 v20, v6;
	v15 =	vmul.f32 v58, v15;
	v36 =	vpop (erf)  }
0xa7: {  	v24 =	vsub.f32 $0.0e+00, v57;
	v22 =	vmul.f32 $1.442695020e+00, v22;
	v37 =	vpop (erf);
	(erf) = vpow2.f32 v63  }
0xa8: {  	v10 =	vld.idx.msk [tilespmem:v10+s2+$0x0], $0xffff;
	v11 =	vmul.f32 v15, v11;
	v14 =	vmul.f32 v61, v14;
	v39 =	vsub.f32 $0.0e+00, v60;
	v38 =	vpop (erf)  }
0xa9: {  	v6 =	vadd.f32 v6, v12;
	v24 =	vmul.f32 $1.442695020e+00, v24;
	v40 =	vpop (erf);
	(erf) = vpow2.f32 v22  }
0xaa: {  	v43 =	vsub.f32 $0.0e+00, v34;
	v5 =	vmul.f32 v14, v5;
	v42 =	vmul.f32 $1.442695020e+00, v39;
	v41 =	vpop (erf)  }
0xab: {  	v9 =	vld.idx.msk [tilespmem:v9+s2+$0x0], $0xffff;
	v20 =	vmul.f32 v62, v35;
	(erf) = vpow2.f32 v24;
	v44 =	vadd.f32 $1.000000000e+00, v41  }
0xac: {  	v6 =	vadd.f32 v11, v6;
	v29 =	vmul.f32 $1.442695020e+00, v43;
	v46 =	vpop (erf);
	(erf) = vpow2.f32 v42  }
0xad: {  	v7 =	vld.idx.msk [tilespmem:v7+s2+$0x0], $0xffff;
	v10 =	vmul.f32 v20, v10;
	v47 =	vadd.f32 $1.000000000e+00, v46;
	(erf) = vrcp.f32 v44  }
0xae: {  	v5 =	vadd.f32 v5, v6;
	v48 =	vmul.f32 v36, v23;
	v49 =	vpop (erf);
	(erf) = vpow2.f32 v29  }
0xaf: {  	v4 =	vld.idx.msk [tilespmem:v4+s2+$0x0], $0xffff;
	v50 =	vsub.f32 $1.000000000e+00, v52;
	v51 =	vadd.f32 $1.000000000e+00, v49;
	(erf) = vrcp.f32 v47  }
0xb0: {  	v5 =	vadd.f32 v10, v5;
	v6 =	vmul.f32 v48, v9;
	v52 =	vmul.f32 v37, v45;
	v53 =	vpop (erf)  }
0xb1: {  	v2 =	vld.idx.msk [tilespmem:v2+s2+$0x0], $0xffff;
	v54 =	vsub.f32 $1.000000000e+00, v33;
	v55 =	vadd.f32 $1.000000000e+00, v53;
	(erf) = vrcp.f32 v51  }
0xb2: {  	v57 =	vmul.f32 v38, v50;
	v5 =	vadd.f32 v6, v5;
	v56 =	vmul.f32 v52, v7;
	v58 =	vpop (erf)  }
0xb3: {  	v59 =	vadd.f32 $1.000000000e+00, v58;
	(erf) = vrcp.f32 v55  }
0xb4: {  	v61 =	vld.idx.msk [tilespmem:v13+s2+$0x0], $0xffff;
	v4 =	vmul.f32 v57, v4;
	v60 =	vmul.f32 v40, v54;
	v5 =	vadd.f32 v56, v5;
	v62 =	vpop (erf)  }
0xb5: {  	v63 =	vsub.f32 $1.000000000e+00, v41;
	v24 =	vadd.f32 $1.000000000e+00, v62;
	(erf) = vrcp.f32 v59;
	v26 =	vpop (erf)  }
0xb6: {  	v27 =	vld.idx.msk [tilespmem:v25+s2+$0x0], $0xffff;
	v2 =	vmul.f32 v60, v2;
	v4 =	vadd.f32 v4, v5;
	v29 =	vadd.f32 $1.000000000e+00, v26;
	v30 =	vpop (erf)  }
0xb7: {  	v31 =	vsub.f32 $1.000000000e+00, v46;
	(erf) = vrcp.f32 v24;
	v13 =	vmul.f32 v30, v63;
	v32 =	vpop (erf)  }
0xb8: {  	v33 =	vld.idx.msk [tilespmem:v18+s2+$0x0], $0xffff;
	v2 =	vadd.f32 v2, v4;
	v34 =	vadd.f32 $1.000000000e+00, v32;
	v35 =	vpop (erf);
	(erf) = vrcp.f32 v29  }
0xb9: {  	v12 =	vsub.f32 $1.000000000e+00, v49;
	v36 =	vmul.f32 v13, v61;
	v37 =	vmul.f32 v35, v31  }
0xba: {  	v38 =	vld.idx.msk [tilespmem:v8+s2+$0x0], $0xffff;
	v10 =	vsub.f32 $1.000000000e+00, v53;
	v39 =	vpop (erf);
	(erf) = vrcp.f32 v34  }
0xbb: {  	v40 =	vmul.f32 v39, v12;
	v2 =	vadd.f32 v36, v2;
	v5 =	vmul.f32 v37, v27  }
0xbc: {  	v41 =	vld.idx.msk [tilespmem:v16+s2+$0x0], $0xffff;
	v9 =	vsub.f32 $1.000000000e+00, v58;
	v42 =	vpop (erf)  }
0xbd: {  	v43 =	vmul.f32 v42, v10;
	v4 =	vmul.f32 v40, v33;
	v2 =	vadd.f32 v5, v2  }
0xbe: {  	v44 =	vld.idx.msk [tilespmem:v17+s2+$0x0], $0xffff;
	v45 =	vsub.f32 $1.000000000e+00, v62;
	v46 =	vpop (erf)  }
0xbf: {  	v48 =	vmul.f32 v46, v9;
	v47 =	vmul.f32 v43, v38;
	v2 =	vadd.f32 v4, v2  }
0xc0: {  	v49 =	vld.idx.msk [tilespmem:v19+s2+$0x0], $0xffff;
	v50 =	vsub.f32 $1.000000000e+00, v26;
	v51 =	vpop (erf)  }
0xc1: {  	v52 =	vmul.f32 v48, v41;
	v53 =	vmul.f32 v51, v45;
	v2 =	vadd.f32 v47, v2  }
0xc2: {  	v3 =	vld.idx.msk [tilespmem:v3+s2+$0x0], $0xffff;
	v55 =	vsub.f32 $1.000000000e+00, v32;
	v54 =	vpop (erf)  }
0xc3: {  	v56 =	vmul.f32 v53, v44;
	v57 =	vmul.f32 v54, v50;
	v2 =	vadd.f32 v52, v2  }
0xc4: {  	v58 =	vpop (erf)  }
0xc5: {  	v59 =	vmul.f32 v57, v49;
	v60 =	vmul.f32 v58, v55;
	v2 =	vadd.f32 v56, v2;
	_ =	sdelay $0x1  }
0xc6: {  	v3 =	vmul.f32 v60, v3;
	v2 =	vadd.f32 v59, v2;
	_ =	sdelay $0x1  }
0xc7: {  	v2 =	vadd.f32 v3, v2;
	_ =	sdelay $0x1  }
0xc8: {  	v2 =	vmul.f32 $-5.000000000e-01, v2;
	_ =	sdelay $0x1  }
0xc9: {  	v2 =	vmul.f32 $1.999999960e-02, v2;
	_ =	sdelay $0x1  }
0xca: {  	v2 =	vadd.f32 $0.0e+00, v2;
	_ =	sdelay $0x1  }
0xcb: {  	v2 =	vmul.f32 $1.442695020e+00, v2;
	_ =	sdelay $0x1  }
0xcc: {  	(erf) = vpow2.f32 v2;
	_ =	sdelay $0x3  }
0xcd: {  	v2 =	vld [tilespmem:s28+$0x10400];
	_ =	sdelay $0x4  }
0xce: {  	v2 =	vsub.f32 $0.0e+00, v2;
	v3 =	vpop (erf)  }
0xcf: {  	v3 =	vadd.f32 $1.000000000e+00, v3  }
0xd0: {  	v2 =	vmul.f32 $1.442695020e+00, v2  }
0xd1: {  	(erf) = vrcp.f32 v3  }
0xd2: {  	(erf) = vpow2.f32 v2;
	_ =	sdelay $0x3  }
0xd3: {  	v2 =	vld [tilespmem:s28+$0x10600];
	_ =	sdelay $0x3  }
0xd4: {  	v3 =	vpop (erf)  }
0xd5: {  	v2 =	vsub.f32 $0.0e+00, v2;
	v61 =	vpop (erf)  }
0xd6: {  	v4 =	vadd.f32 $1.000000000e+00, v61  }
0xd7: {  	v2 =	vmul.f32 $1.442695020e+00, v2  }
0xd8: {  	(erf) = vrcp.f32 v4  }
0xd9: {  	(erf) = vpow2.f32 v2;
	_ =	sdelay $0x7  }
0xda: {  	v2 =	vpop (erf)  }
0xdb: {  	v62 =	vpop (erf)  }
0xdc: {  	v4 =	vadd.f32 $1.000000000e+00, v62;
	_ =	sdelay $0x1  }
0xdd: {  	(erf) = vrcp.f32 v4;
	_ =	sdelay $0x7  }
0xde: {  	v2 =	vmul.f32 $4.000000060e-01, v2  }
0xdf: {  	v4 =	vpop (erf)  }
0xe0: {  	s25 =	sadd.s32 $0x1, s25;
	v63 =	vsub.f32 $1.000000000e+00, v3;
	v2 =	vsub.f32 $1.000000000e+00, v2;
	v4 =	vmul.f32 $4.000000060e-01, v4  }
0xe1: {  	p0 =	sne.s32 s25, $0x8  }
.Ltmp1:
0xe2: {  	v2 =	vmul.f32 v2, v3;
	v3 =	vmul.f32 v4, v63;
	(pc) =	sbr.rel @p0 .LBB2_2-.Ltmp1, $3  }
0xe3: {  	_ = 	snop  }
0xe4: {  	v2 =	vadd.f32 v3, v2;
	_ =	sdelay $0x1  }
0xe5: {  	[tilespmem:s28+$0x10800] =	vst v2  }
0xe6: {  	s3 =	simm.s32 $0x100  }
0xe7: {  	[tilespmem:s0], [sflag:$0x1] =	stream.indirect.gather [hbm4b:s1+s31], $0x80, s3, s31, $0xb8;
	[tilespmem:$0x10A00] =	vst v63  }
0xe8: {  	s25 =	simm.s32 $0x0  }
0xe9: {  	[tilespmem:s2], [sflag:$0x1] =	stream.linear.gather [hbm4b:s16+s25], $0x4000, $0x38;
	[tilespmem:$0x10A00] =	vst v63  }
0xea: {  	_ =	swait.ge [sflag:s26], $0x4000  }
0xeb: {  	[sflag:s26] =	ssyncset.done $0x0  }
0xec: {  	[sflag:s26] =	ssyncadd.s32 $0xFFFFC000  }
0xed: {  	_ =	swait.ge [sflag:s26], $0x4000  }
0xee: {  	[sflag:s26] =	ssyncset.done $0x0  }
0xef: {  	s28 =	simm.s32 $0x0;
	[sflag:s26] =	ssyncadd.s32 $0xFFFFC000  }
.LBB2_6:
0xf0: {  	s29 =	sshll.u32 s28, $0x4  }
0xf1: {  	v2 =	vmov s29  }
0xf2: {  	v4 =	vadd.s32 s25, v0;
	v2 =	vshll.u32 v2, $0x7  }
0xf3: {  	s3 =	simm.s32 $0x1;
	v3 =	vor.u32 v1, v2;
	v2 =	vand.u32 $0x7F, v4  }
0xf4: {  	v6 =	vor.u32 v3, v2;
	v2 =	vadd.s32 s3, v0  }
0xf5: {  	s5 =	simm.s32 $0x2;
	v2 =	vand.u32 $0x7F, v2  }
0xf6: {  	v4 =	vadd.s32 s5, v0;
	v11 =	vor.u32 v3, v2  }
0xf7: {  	s6 =	simm.s32 $0x3;
	v2 =	vand.u32 $0x7F, v4  }
0xf8: {  	v4 =	vadd.s32 s6, v0;
	v5 =	vor.u32 v3, v2  }
0xf9: {  	s5 =	simm.s32 $0x4;
	v2 =	vand.u32 $0x7F, v4;
	v4 =	vld.idx.msk [tilespmem:v6+s21+$0x0], $0xffff  }
0xfa: {  	v10 =	vor.u32 v3, v2;
	v2 =	vadd.s32 s5, v0  }
0xfb: {  	s6 =	simm.s32 $0x5;
	v2 =	vand.u32 $0x7F, v2;
	v8 =	vld.idx.msk [tilespmem:v11+s21+$0x0], $0xffff  }
0xfc: {  	v7 =	vadd.s32 s6, v0;
	s5 =	simm.s32 $0x6;
	v9 =	vor.u32 v3, v2  }
0xfd: {  	v7 =	vand.u32 $0x7F, v7;
	v2 =	vadd.s32 s5, v0;
	v12 =	vld.idx.msk [tilespmem:v5+s21+$0x0], $0xffff  }
0xfe: {  	v7 =	vor.u32 v3, v7;
	s5 =	simm.s32 $0x7;
	v2 =	vand.u32 $0x7F, v2;
	v13 =	vsub.f32 $0.0e+00, v4  }
0xff: {  	v14 =	vadd.s32 s5, v0;
	v15 =	vld.idx.msk [tilespmem:v10+s21+$0x0], $0xffff;
	v4 =	vor.u32 v3, v2  }
0x100: {  	v2 =	vand.u32 $0x7F, v14;
	v13 =	vmul.f32 $1.442695020e+00, v13;
	v8 =	vsub.f32 $0.0e+00, v8  }
0x101: {  	v2 =	vor.u32 v3, v2;
	v14 =	vld.idx.msk [tilespmem:v9+s21+$0x0], $0xffff  }
0x102: {  	v12 =	vsub.f32 $0.0e+00, v12;
	v8 =	vmul.f32 $1.442695020e+00, v8;
	(erf) = vpow2.f32 v13  }
0x103: {  	v13 =	vld.idx.msk [tilespmem:v7+s21+$0x0], $0xffff  }
0x104: {  	v15 =	vsub.f32 $0.0e+00, v15;
	v12 =	vmul.f32 $1.442695020e+00, v12;
	v16 =	vld.idx.msk [tilespmem:v4+s21+$0x0], $0xffff;
	(erf) = vpow2.f32 v8;
	_ =	sdelay $0x1  }
0x105: {  	s5 =	simm.s32 $0xE;
	v8 =	vmul.f32 $1.442695020e+00, v15;
	v14 =	vsub.f32 $0.0e+00, v14;
	v15 =	vld.idx.msk [tilespmem:v2+s21+$0x0], $0xffff;
	(erf) = vpow2.f32 v12  }
0x106: {  	v19 =	vadd.s32 s5, v0  }
0x107: {  	s6 =	simm.s32 $0x8;
	s5 =	simm.s32 $0xD;
	v14 =	vmul.f32 $1.442695020e+00, v14;
	(erf) = vpow2.f32 v8;
	v13 =	vsub.f32 $0.0e+00, v13  }
0x108: {  	v17 =	vadd.s32 s5, v0;
	v8 =	vadd.s32 s6, v0;
	v18 =	vsub.f32 $0.0e+00, v16  }
0x109: {  	s6 =	simm.s32 $0xF;
	v8 =	vand.u32 $0x7F, v8;
	(erf) = vpow2.f32 v14;
	v13 =	vmul.f32 $1.442695020e+00, v13  }
0x10a: {  	v16 =	vadd.s32 s6, v0;
	s6 =	simm.s32 $0xB;
	v14 =	vmul.f32 $1.442695020e+00, v18;
	v18 =	vsub.f32 $0.0e+00, v15;
	v20 =	vpop (erf)  }
0x10b: {  	v21 =	vadd.s32 s6, v0;
	(erf) = vpow2.f32 v13;
	v22 =	vadd.f32 $1.000000000e+00, v20  }
0x10c: {  	v13 =	vor.u32 v3, v8;
	v18 =	vmul.f32 $1.442695020e+00, v18;
	(erf) = vpow2.f32 v14;
	v15 =	vpop (erf)  }
0x10d: {  	v8 =	vand.u32 $0x7F, v21;
	v24 =	vadd.f32 $1.000000000e+00, v15;
	(erf) = vrcp.f32 v22  }
0x10e: {  	v12 =	vimm.f32 $0.0e+00;
	s6 =	simm.s32 $0xA;
	v8 =	vor.u32 v3, v8;
	v14 =	vpop (erf);
	(erf) = vpow2.f32 v18  }
0x10f: {  	s5 =	simm.s32 $0x9;
	v22 =	vadd.s32 s6, v0;
	s6 =	simm.s32 $0xC;
	v23 =	vadd.f32 $1.000000000e+00, v14;
	(erf) = vrcp.f32 v24  }
0x110: {  	s3 =	simm.s32 $0x10;
	v18 =	vadd.s32 s5, v0;
	v21 =	vpop (erf);
	v24 =	vand.u32 $0x7F, v22;
	v22 =	vadd.s32 s6, v0  }
.LBB2_7:
0x111: {  	p0 =	slt.u32 s3, $0x78;
	v24 =	vor.u32 v3, v24;
	v29 =	vadd.f32 $1.000000000e+00, v21;
	(erf) = vrcp.f32 v23  }
0x112: {  	v18 =	vand.u32 $0x7F, v18;
	v19 =	vand.u32 $0x7F, v19;
	v16 =	vand.u32 $0x7F, v16;
	v23 =	vld.idx.msk [tilespmem:v13+s21+$0x0], $0xffff;
	v26 =	vpop (erf)  }
0x113: {  	v18 =	vor.u32 v3, v18;
	v27 =	vld.idx.msk [tilespmem:v6+s22+$0x0], $0xffff;
	v30 =	vadd.f32 $1.000000000e+00, v26;
	(erf) = vrcp.f32 v29;
	v6 =	vmovc v13  }
0x114: {  	v22 =	vand.u32 $0x7F, v22;
	v17 =	vand.u32 $0x7F, v17;
	v16 =	vor.u32 v3, v16;
	v13 =	vld.idx.msk [tilespmem:v8+s21+$0x0], $0xffff;
	v25 =	vpop (erf)  }
0x115: {  	v20 =	vsub.f32 $1.000000000e+00, v20;
	v11 =	vld.idx.msk [tilespmem:v11+s22+$0x0], $0xffff;
	v33 =	vadd.f32 $1.000000000e+00, v25;
	(erf) = vrcp.f32 v30;
	v28 =	vpop (erf)  }
0x116: {  	v22 =	vor.u32 v3, v22;
	v17 =	vor.u32 v3, v17;
	v30 =	vld.idx.msk [tilespmem:v24+s21+$0x0], $0xffff;
	v31 =	vadd.f32 $1.000000000e+00, v28;
	v32 =	vpop (erf)  }
0x117: {  	v15 =	vsub.f32 $1.000000000e+00, v15;
	v20 =	vmul.f32 v32, v20;
	v32 =	vld.idx.msk [tilespmem:v5+s22+$0x0], $0xffff;
	(erf) = vrcp.f32 v33;
	v29 =	vpop (erf)  }
0x118: {  	v23 =	vsub.f32 $0.0e+00, v23;
	v33 =	vld.idx.msk [tilespmem:v18+s21+$0x0], $0xffff;
	v34 =	vadd.f32 $1.000000000e+00, v29;
	v5 =	vpop (erf);
	(erf) = vrcp.f32 v31  }
0x119: {  	v14 =	vsub.f32 $1.000000000e+00, v14;
	v20 =	vmul.f32 v20, v27;
	v15 =	vmul.f32 v5, v15;
	v10 =	vld.idx.msk [tilespmem:v10+s22+$0x0], $0xffff;
	v5 =	vmovc v24  }
0x11a: {  	v21 =	vsub.f32 $1.000000000e+00, v21;
	v13 =	vsub.f32 $0.0e+00, v13;
	v24 =	vpop (erf);
	(erf) = vrcp.f32 v34  }
0x11b: {  	v12 =	vadd.f32 v20, v12;
	v11 =	vmul.f32 v15, v11;
	v14 =	vmul.f32 v24, v14;
	v9 =	vld.idx.msk [tilespmem:v9+s22+$0x0], $0xffff  }
0x11c: {  	v19 =	vor.u32 v3, v19;
	v15 =	vsub.f32 $0.0e+00, v30;
	v20 =	vsub.f32 $1.000000000e+00, v26;
	v24 =	vpop (erf)  }
0x11d: {  	v11 =	vadd.f32 v11, v12;
	v12 =	vmul.f32 v14, v32;
	v14 =	vmul.f32 v24, v21;
	v7 =	vld.idx.msk [tilespmem:v7+s22+$0x0], $0xffff  }
0x11e: {  	v30 =	vsub.f32 $1.000000000e+00, v25;
	v21 =	vmul.f32 $1.442695020e+00, v23;
	v27 =	vsub.f32 $0.0e+00, v33;
	v24 =	vld.idx.msk [tilespmem:v22+s21+$0x0], $0xffff;
	v26 =	vpop (erf)  }
0x11f: {  	v31 =	vadd.f32 v12, v11;
	v10 =	vmul.f32 v14, v10;
	v12 =	vmul.f32 v26, v20;
	v4 =	vld.idx.msk [tilespmem:v4+s22+$0x0], $0xffff  }
0x120: {  	v14 =	vmul.f32 $1.442695020e+00, v27;
	v27 =	vsub.f32 $1.000000000e+00, v28;
	v20 =	vld.idx.msk [tilespmem:v17+s21+$0x0], $0xffff;
	(erf) = vpow2.f32 v21;
	v23 =	vpop (erf)  }
0x121: {  	v10 =	vadd.f32 v10, v31;
	v28 =	vmul.f32 v12, v9;
	v12 =	vmul.f32 v23, v30;
	v23 =	vld.idx.msk [tilespmem:v2+s22+$0x0], $0xffff;
	v25 =	vpop (erf)  }
0x122: {  	v15 =	vmul.f32 $1.442695020e+00, v15;
	v11 =	vmovc v18;
	v2 =	vmovc v16;
	v26 =	vld.idx.msk [tilespmem:v19+s21+$0x0], $0xffff;
	(erf) = vpow2.f32 v14;
	v14 =	vsub.f32 $1.000000000e+00, v29  }
0x123: {  	v18 =	vmul.f32 v25, v27;
	v28 =	vadd.f32 v28, v10;
	v12 =	vmul.f32 v12, v7;
	v21 =	vpop (erf)  }
0x124: {  	v13 =	vmul.f32 $1.442695020e+00, v13;
	v9 =	vmovc v22;
	v24 =	vsub.f32 $0.0e+00, v24;
	v7 =	vmovc v17;
	v25 =	vld.idx.msk [tilespmem:v16+s21+$0x0], $0xffff;
	(erf) = vpow2.f32 v15  }
0x125: {  	v15 =	vmul.f32 v18, v4;
	v14 =	vmul.f32 v21, v14;
	v4 =	vmovc v19;
	v12 =	vadd.f32 v12, v28  }
0x126: {  	v18 =	vadd.s32 s3, v0;
	v17 =	vmul.f32 $1.442695020e+00, v24;
	v21 =	vsub.f32 $0.0e+00, v20;
	v10 =	vmovc v8  }
0x127: {  	s5 =	sadd.s32 $0x6, s3;
	s6 =	sadd.s32 $0x7, s3;
	(erf) = vpow2.f32 v13;
	v8 =	vadd.f32 v15, v12;
	v12 =	vmul.f32 v14, v23  }
0x128: {  	v19 =	vadd.s32 s5, v0;
	v16 =	vadd.s32 s6, v0;
	v13 =	vsub.f32 $0.0e+00, v26  }
0x129: {  	s5 =	sadd.s32 $0x5, s3;
	v14 =	vmul.f32 $1.442695020e+00, v21;
	v20 =	vpop (erf);
	(erf) = vpow2.f32 v17;
	v12 =	vadd.f32 v12, v8  }
0x12a: {  	s6 =	sadd.s32 $0x3, s3;
	v17 =	vadd.s32 s5, v0;
	v8 =	vmul.f32 $1.442695020e+00, v13;
	v13 =	vsub.f32 $0.0e+00, v25  }
0x12b: {  	v21 =	vadd.s32 s6, v0;
	v22 =	vadd.f32 $1.000000000e+00, v20;
	v15 =	vpop (erf);
	(erf) = vpow2.f32 v14  }
.Ltmp2:
0x12c: {  	v23 =	vand.u32 $0x7F, v18;
	v18 =	vmul.f32 $1.442695020e+00, v13;
	(erf) = vpow2.f32 v8;
	(pc) =	sbr.rel @p0 .LBB2_7-.Ltmp2, $4  }
0x12d: {  	s5 =	sadd.s32 $0x2, s3;
	v13 =	vor.u32 v3, v23;
	v24 =	vadd.f32 $1.000000000e+00, v15;
	(erf) = vrcp.f32 v22;
	v14 =	vpop (erf)  }
0x12e: {  	v8 =	vand.u32 $0x7F, v21;
	v22 =	vadd.s32 s5, v0;
	(erf) = vpow2.f32 v18  }
0x12f: {  	s6 =	sadd.s32 $0x4, s3;
	s5 =	sadd.s32 $0x1, s3;
	v8 =	vor.u32 v3, v8;
	v23 =	vadd.f32 $1.000000000e+00, v14;
	(erf) = vrcp.f32 v24  }
0x130: {  	s3 =	sadd.s32 $0x8, s3;
	v18 =	vadd.s32 s5, v0;
	v24 =	vand.u32 $0x7F, v22;
	v22 =	vadd.s32 s6, v0;
	v21 =	vpop (erf)  }
0x131: {  	v18 =	vand.u32 $0x7F, v18  }
0x132: {  	v25 =	vor.u32 v3, v18;
	_ =	sdelay $0x1  }
0x133: {  	v18 =	vor.u32 v3, v24  }
0x134: {  	v50 =	vld.idx.msk [tilespmem:v13+s21+$0x0], $0xffff  }
0x135: {  	v26 =	vadd.f32 $1.000000000e+00, v21;
	(erf) = vrcp.f32 v23;
	v51 =	vpop (erf)  }
0x136: {  	v19 =	vand.u32 $0x7F, v19;
	v22 =	vand.u32 $0x7F, v22;
	v30 =	vand.u32 $0x7F, v16;
	v28 =	vpop (erf);
	v29 =	vld.idx.msk [tilespmem:v25+s21+$0x0], $0xffff  }
0x137: {  	v17 =	vand.u32 $0x7F, v17;
	v16 =	vor.u32 v3, v22;
	v27 =	vadd.f32 $1.000000000e+00, v51;
	v52 =	vpop (erf)  }
0x138: {  	v17 =	vor.u32 v3, v17;
	(erf) = vrcp.f32 v26;
	v53 =	vadd.f32 $1.000000000e+00, v28;
	v31 =	vpop (erf);
	v54 =	vld.idx.msk [tilespmem:v18+s21+$0x0], $0xffff  }
0x139: {  	(erf) = vrcp.f32 v27;
	v32 =	vadd.f32 $1.000000000e+00, v52;
	v24 =	vsub.f32 $0.0e+00, v50;
	v33 =	vpop (erf)  }
0x13a: {  	v34 =	vld.idx.msk [tilespmem:v8+s21+$0x0], $0xffff;
	v19 =	vor.u32 v3, v19;
	(erf) = vrcp.f32 v53;
	v55 =	vadd.f32 $1.000000000e+00, v33  }
0x13b: {  	v6 =	vld.idx.msk [tilespmem:v6+s22+$0x0], $0xffff;
	(erf) = vrcp.f32 v32;
	v24 =	vmul.f32 $1.442695020e+00, v24;
	v29 =	vsub.f32 $0.0e+00, v29  }
0x13c: {  	v20 =	vsub.f32 $1.000000000e+00, v20;
	v3 =	vor.u32 v3, v30;
	v56 =	vld.idx.msk [tilespmem:v16+s21+$0x0], $0xffff;
	(erf) = vrcp.f32 v55  }
0x13d: {  	v11 =	vld.idx.msk [tilespmem:v11+s22+$0x0], $0xffff;
	(erf) = vpow2.f32 v24;
	v27 =	vsub.f32 $0.0e+00, v54;
	v29 =	vmul.f32 $1.442695020e+00, v29  }
0x13e: {  	v15 =	vsub.f32 $1.000000000e+00, v15;
	v14 =	vsub.f32 $1.000000000e+00, v14;
	v57 =	vld.idx.msk [tilespmem:v17+s21+$0x0], $0xffff  }
0x13f: {  	v59 =	vsub.f32 $0.0e+00, v34;
	v60 =	vld.idx.msk [tilespmem:v19+s21+$0x0], $0xffff;
	v58 =	vpop (erf);
	v27 =	vmul.f32 $1.442695020e+00, v27;
	(erf) = vpow2.f32 v29  }
0x140: {  	v5 =	vld.idx.msk [tilespmem:v5+s22+$0x0], $0xffff;
	v35 =	vsub.f32 $1.000000000e+00, v21;
	v23 =	vsub.f32 $1.000000000e+00, v51;
	v20 =	vmul.f32 v31, v20;
	v61 =	vpop (erf)  }
0x141: {  	v34 =	vld.idx.msk [tilespmem:v3+s21+$0x0], $0xffff;
	v63 =	vmul.f32 $1.442695020e+00, v59;
	v62 =	vpop (erf);
	v22 =	vsub.f32 $0.0e+00, v56;
	(erf) = vpow2.f32 v27  }
0x142: {  	v45 =	vsub.f32 $1.000000000e+00, v28;
	v6 =	vmul.f32 v20, v6;
	v15 =	vmul.f32 v58, v15;
	v36 =	vpop (erf)  }
0x143: {  	v24 =	vsub.f32 $0.0e+00, v57;
	v22 =	vmul.f32 $1.442695020e+00, v22;
	v37 =	vpop (erf);
	(erf) = vpow2.f32 v63  }
0x144: {  	v10 =	vld.idx.msk [tilespmem:v10+s22+$0x0], $0xffff;
	v11 =	vmul.f32 v15, v11;
	v14 =	vmul.f32 v61, v14;
	v39 =	vsub.f32 $0.0e+00, v60;
	v38 =	vpop (erf)  }
0x145: {  	v6 =	vadd.f32 v6, v12;
	v24 =	vmul.f32 $1.442695020e+00, v24;
	v40 =	vpop (erf);
	(erf) = vpow2.f32 v22  }
0x146: {  	v43 =	vsub.f32 $0.0e+00, v34;
	v5 =	vmul.f32 v14, v5;
	v42 =	vmul.f32 $1.442695020e+00, v39;
	v41 =	vpop (erf)  }
0x147: {  	v9 =	vld.idx.msk [tilespmem:v9+s22+$0x0], $0xffff;
	v20 =	vmul.f32 v62, v35;
	(erf) = vpow2.f32 v24;
	v44 =	vadd.f32 $1.000000000e+00, v41  }
0x148: {  	v6 =	vadd.f32 v11, v6;
	v29 =	vmul.f32 $1.442695020e+00, v43;
	v46 =	vpop (erf);
	(erf) = vpow2.f32 v42  }
0x149: {  	v7 =	vld.idx.msk [tilespmem:v7+s22+$0x0], $0xffff;
	v10 =	vmul.f32 v20, v10;
	v47 =	vadd.f32 $1.000000000e+00, v46;
	(erf) = vrcp.f32 v44  }
0x14a: {  	v5 =	vadd.f32 v5, v6;
	v48 =	vmul.f32 v36, v23;
	v49 =	vpop (erf);
	(erf) = vpow2.f32 v29  }
0x14b: {  	v4 =	vld.idx.msk [tilespmem:v4+s22+$0x0], $0xffff;
	v50 =	vsub.f32 $1.000000000e+00, v52;
	v51 =	vadd.f32 $1.000000000e+00, v49;
	(erf) = vrcp.f32 v47  }
0x14c: {  	v5 =	vadd.f32 v10, v5;
	v6 =	vmul.f32 v48, v9;
	v52 =	vmul.f32 v37, v45;
	v53 =	vpop (erf)  }
0x14d: {  	v2 =	vld.idx.msk [tilespmem:v2+s22+$0x0], $0xffff;
	v54 =	vsub.f32 $1.000000000e+00, v33;
	v55 =	vadd.f32 $1.000000000e+00, v53;
	(erf) = vrcp.f32 v51  }
0x14e: {  	v57 =	vmul.f32 v38, v50;
	v5 =	vadd.f32 v6, v5;
	v56 =	vmul.f32 v52, v7;
	v58 =	vpop (erf)  }
0x14f: {  	v59 =	vadd.f32 $1.000000000e+00, v58;
	(erf) = vrcp.f32 v55  }
0x150: {  	v61 =	vld.idx.msk [tilespmem:v13+s22+$0x0], $0xffff;
	v4 =	vmul.f32 v57, v4;
	v60 =	vmul.f32 v40, v54;
	v5 =	vadd.f32 v56, v5;
	v62 =	vpop (erf)  }
0x151: {  	v63 =	vsub.f32 $1.000000000e+00, v41;
	v24 =	vadd.f32 $1.000000000e+00, v62;
	(erf) = vrcp.f32 v59;
	v26 =	vpop (erf)  }
0x152: {  	v27 =	vld.idx.msk [tilespmem:v25+s22+$0x0], $0xffff;
	v2 =	vmul.f32 v60, v2;
	v4 =	vadd.f32 v4, v5;
	v29 =	vadd.f32 $1.000000000e+00, v26;
	v30 =	vpop (erf)  }
0x153: {  	v31 =	vsub.f32 $1.000000000e+00, v46;
	(erf) = vrcp.f32 v24;
	v13 =	vmul.f32 v30, v63;
	v32 =	vpop (erf)  }
0x154: {  	v33 =	vld.idx.msk [tilespmem:v18+s22+$0x0], $0xffff;
	v2 =	vadd.f32 v2, v4;
	v34 =	vadd.f32 $1.000000000e+00, v32;
	v35 =	vpop (erf);
	(erf) = vrcp.f32 v29  }
0x155: {  	v12 =	vsub.f32 $1.000000000e+00, v49;
	v36 =	vmul.f32 v13, v61;
	v37 =	vmul.f32 v35, v31  }
0x156: {  	v38 =	vld.idx.msk [tilespmem:v8+s22+$0x0], $0xffff;
	v10 =	vsub.f32 $1.000000000e+00, v53;
	v39 =	vpop (erf);
	(erf) = vrcp.f32 v34  }
0x157: {  	v40 =	vmul.f32 v39, v12;
	v2 =	vadd.f32 v36, v2;
	v5 =	vmul.f32 v37, v27  }
0x158: {  	v41 =	vld.idx.msk [tilespmem:v16+s22+$0x0], $0xffff;
	v9 =	vsub.f32 $1.000000000e+00, v58;
	v42 =	vpop (erf)  }
0x159: {  	v43 =	vmul.f32 v42, v10;
	v4 =	vmul.f32 v40, v33;
	v2 =	vadd.f32 v5, v2  }
0x15a: {  	v44 =	vld.idx.msk [tilespmem:v17+s22+$0x0], $0xffff;
	v45 =	vsub.f32 $1.000000000e+00, v62;
	v46 =	vpop (erf)  }
0x15b: {  	v48 =	vmul.f32 v46, v9;
	v47 =	vmul.f32 v43, v38;
	v2 =	vadd.f32 v4, v2  }
0x15c: {  	v49 =	vld.idx.msk [tilespmem:v19+s22+$0x0], $0xffff;
	v50 =	vsub.f32 $1.000000000e+00, v26;
	v51 =	vpop (erf)  }
0x15d: {  	v52 =	vmul.f32 v48, v41;
	v53 =	vmul.f32 v51, v45;
	v2 =	vadd.f32 v47, v2  }
0x15e: {  	v3 =	vld.idx.msk [tilespmem:v3+s22+$0x0], $0xffff;
	v55 =	vsub.f32 $1.000000000e+00, v32;
	v54 =	vpop (erf)  }
0x15f: {  	v56 =	vmul.f32 v53, v44;
	v57 =	vmul.f32 v54, v50;
	v2 =	vadd.f32 v52, v2  }
0x160: {  	v58 =	vpop (erf)  }
0x161: {  	v59 =	vmul.f32 v57, v49;
	v60 =	vmul.f32 v58, v55;
	v2 =	vadd.f32 v56, v2;
	_ =	sdelay $0x1  }
0x162: {  	v3 =	vmul.f32 v60, v3;
	v2 =	vadd.f32 v59, v2;
	_ =	sdelay $0x1  }
0x163: {  	v2 =	vadd.f32 v3, v2;
	_ =	sdelay $0x1  }
0x164: {  	v2 =	vmul.f32 $-5.000000000e-01, v2;
	_ =	sdelay $0x1  }
0x165: {  	v2 =	vmul.f32 $1.999999960e-02, v2;
	_ =	sdelay $0x1  }
0x166: {  	v2 =	vadd.f32 $0.0e+00, v2;
	_ =	sdelay $0x1  }
0x167: {  	v2 =	vmul.f32 $1.442695020e+00, v2;
	_ =	sdelay $0x1  }
0x168: {  	(erf) = vpow2.f32 v2;
	_ =	sdelay $0x3  }
0x169: {  	v2 =	vld [tilespmem:s29+$0x10480];
	_ =	sdelay $0x4  }
0x16a: {  	v2 =	vsub.f32 $0.0e+00, v2;
	v3 =	vpop (erf)  }
0x16b: {  	v3 =	vadd.f32 $1.000000000e+00, v3  }
0x16c: {  	v2 =	vmul.f32 $1.442695020e+00, v2  }
0x16d: {  	(erf) = vrcp.f32 v3  }
0x16e: {  	(erf) = vpow2.f32 v2;
	_ =	sdelay $0x3  }
0x16f: {  	v2 =	vld [tilespmem:s29+$0x10680];
	_ =	sdelay $0x3  }
0x170: {  	v3 =	vpop (erf)  }
0x171: {  	v2 =	vsub.f32 $0.0e+00, v2;
	v61 =	vpop (erf)  }
0x172: {  	v4 =	vadd.f32 $1.000000000e+00, v61  }
0x173: {  	v2 =	vmul.f32 $1.442695020e+00, v2  }
0x174: {  	(erf) = vrcp.f32 v4  }
0x175: {  	(erf) = vpow2.f32 v2;
	_ =	sdelay $0x7  }
0x176: {  	v2 =	vpop (erf)  }
0x177: {  	v62 =	vpop (erf)  }
0x178: {  	v4 =	vadd.f32 $1.000000000e+00, v62;
	_ =	sdelay $0x1  }
0x179: {  	(erf) = vrcp.f32 v4;
	_ =	sdelay $0x7  }
0x17a: {  	v2 =	vmul.f32 $4.000000060e-01, v2  }
0x17b: {  	v4 =	vpop (erf)  }
0x17c: {  	s28 =	sadd.s32 $0x1, s28;
	v63 =	vsub.f32 $1.000000000e+00, v3;
	v2 =	vsub.f32 $1.000000000e+00, v2;
	v4 =	vmul.f32 $4.000000060e-01, v4  }
0x17d: {  	p0 =	sne.s32 s28, $0x8  }
.Ltmp3:
0x17e: {  	v2 =	vmul.f32 v2, v3;
	v3 =	vmul.f32 v4, v63;
	(pc) =	sbr.rel @p0 .LBB2_6-.Ltmp3, $3  }
0x17f: {  	_ = 	snop  }
0x180: {  	v2 =	vadd.f32 v3, v2;
	_ =	sdelay $0x1  }
0x181: {  	[tilespmem:s29+$0x10880] =	vst v2  }
0x182: {  	s3 =	simm.s32 $0x180  }
0x183: {  	[tilespmem:s21], [sflag:$0x2] =	stream.indirect.gather [hbm4b:s1+s31], $0x80, s3, s31, $0xb8;
	[tilespmem:$0x10A00] =	vst v63  }
0x184: {  	s25 =	simm.s32 $0x0  }
0x185: {  	[tilespmem:s22], [sflag:$0x2] =	stream.linear.gather [hbm4b:s17+s25], $0x4000, $0x38;
	[tilespmem:$0x10A00] =	vst v63  }
0x186: {  	_ =	swait.ge [sflag:s23], $0x4000  }
0x187: {  	[sflag:s23] =	ssyncset.done $0x0  }
0x188: {  	[sflag:s23] =	ssyncadd.s32 $0xFFFFC000  }
0x189: {  	_ =	swait.ge [sflag:s23], $0x4000  }
0x18a: {  	[sflag:s23] =	ssyncset.done $0x0  }
0x18b: {  	s28 =	simm.s32 $0x0;
	[sflag:s23] =	ssyncadd.s32 $0xFFFFC000  }
.LBB2_10:
0x18c: {  	s29 =	sshll.u32 s28, $0x4  }
0x18d: {  	v2 =	vmov s29  }
0x18e: {  	v4 =	vadd.s32 s25, v0;
	v2 =	vshll.u32 v2, $0x7  }
0x18f: {  	s3 =	simm.s32 $0x1;
	v3 =	vor.u32 v1, v2;
	v2 =	vand.u32 $0x7F, v4  }
0x190: {  	v6 =	vor.u32 v3, v2;
	v2 =	vadd.s32 s3, v0  }
0x191: {  	s5 =	simm.s32 $0x2;
	v2 =	vand.u32 $0x7F, v2  }
0x192: {  	v4 =	vadd.s32 s5, v0;
	v11 =	vor.u32 v3, v2  }
0x193: {  	s6 =	simm.s32 $0x3;
	v2 =	vand.u32 $0x7F, v4  }
0x194: {  	v4 =	vadd.s32 s6, v0;
	v5 =	vor.u32 v3, v2  }
0x195: {  	s5 =	simm.s32 $0x4;
	v2 =	vand.u32 $0x7F, v4;
	v4 =	vld.idx.msk [tilespmem:v6+s0+$0x0], $0xffff  }
0x196: {  	v10 =	vor.u32 v3, v2;
	v2 =	vadd.s32 s5, v0  }
0x197: {  	s6 =	simm.s32 $0x5;
	v2 =	vand.u32 $0x7F, v2;
	v8 =	vld.idx.msk [tilespmem:v11+s0+$0x0], $0xffff  }
0x198: {  	v7 =	vadd.s32 s6, v0;
	s5 =	simm.s32 $0x6;
	v9 =	vor.u32 v3, v2  }
0x199: {  	v7 =	vand.u32 $0x7F, v7;
	v2 =	vadd.s32 s5, v0;
	v12 =	vld.idx.msk [tilespmem:v5+s0+$0x0], $0xffff  }
0x19a: {  	v7 =	vor.u32 v3, v7;
	s5 =	simm.s32 $0x7;
	v2 =	vand.u32 $0x7F, v2;
	v13 =	vsub.f32 $0.0e+00, v4  }
0x19b: {  	v14 =	vadd.s32 s5, v0;
	v15 =	vld.idx.msk [tilespmem:v10+s0+$0x0], $0xffff;
	v4 =	vor.u32 v3, v2  }
0x19c: {  	v2 =	vand.u32 $0x7F, v14;
	v13 =	vmul.f32 $1.442695020e+00, v13;
	v8 =	vsub.f32 $0.0e+00, v8  }
0x19d: {  	v2 =	vor.u32 v3, v2;
	v14 =	vld.idx.msk [tilespmem:v9+s0+$0x0], $0xffff  }
0x19e: {  	v12 =	vsub.f32 $0.0e+00, v12;
	v8 =	vmul.f32 $1.442695020e+00, v8;
	(erf) = vpow2.f32 v13  }
0x19f: {  	v13 =	vld.idx.msk [tilespmem:v7+s0+$0x0], $0xffff  }
0x1a0: {  	v15 =	vsub.f32 $0.0e+00, v15;
	v12 =	vmul.f32 $1.442695020e+00, v12;
	v16 =	vld.idx.msk [tilespmem:v4+s0+$0x0], $0xffff;
	(erf) = vpow2.f32 v8;
	_ =	sdelay $0x1  }
0x1a1: {  	s5 =	simm.s32 $0xE;
	v8 =	vmul.f32 $1.442695020e+00, v15;
	v14 =	vsub.f32 $0.0e+00, v14;
	v15 =	vld.idx.msk [tilespmem:v2+s0+$0x0], $0xffff;
	(erf) = vpow2.f32 v12  }
0x1a2: {  	v19 =	vadd.s32 s5, v0  }
0x1a3: {  	s6 =	simm.s32 $0x8;
	s5 =	simm.s32 $0xD;
	v14 =	vmul.f32 $1.442695020e+00, v14;
	(erf) = vpow2.f32 v8;
	v13 =	vsub.f32 $0.0e+00, v13  }
0x1a4: {  	v17 =	vadd.s32 s5, v0;
	v8 =	vadd.s32 s6, v0;
	v18 =	vsub.f32 $0.0e+00, v16  }
0x1a5: {  	s6 =	simm.s32 $0xF;
	v8 =	vand.u32 $0x7F, v8;
	(erf) = vpow2.f32 v14;
	v13 =	vmul.f32 $1.442695020e+00, v13  }
0x1a6: {  	v16 =	vadd.s32 s6, v0;
	s6 =	simm.s32 $0xB;
	v14 =	vmul.f32 $1.442695020e+00, v18;
	v18 =	vsub.f32 $0.0e+00, v15;
	v20 =	vpop (erf)  }
0x1a7: {  	v21 =	vadd.s32 s6, v0;
	(erf) = vpow2.f32 v13;
	v22 =	vadd.f32 $1.000000000e+00, v20  }
0x1a8: {  	v13 =	vor.u32 v3, v8;
	v18 =	vmul.f32 $1.442695020e+00, v18;
	(erf) = vpow2.f32 v14;
	v15 =	vpop (erf)  }
0x1a9: {  	v8 =	vand.u32 $0x7F, v21;
	v24 =	vadd.f32 $1.000000000e+00, v15;
	(erf) = vrcp.f32 v22  }
0x1aa: {  	v12 =	vimm.f32 $0.0e+00;
	s6 =	simm.s32 $0xA;
	v8 =	vor.u32 v3, v8;
	v14 =	vpop (erf);
	(erf) = vpow2.f32 v18  }
0x1ab: {  	s5 =	simm.s32 $0x9;
	v22 =	vadd.s32 s6, v0;
	s6 =	simm.s32 $0xC;
	v23 =	vadd.f32 $1.000000000e+00, v14;
	(erf) = vrcp.f32 v24  }
0x1ac: {  	s3 =	simm.s32 $0x10;
	v18 =	vadd.s32 s5, v0;
	v21 =	vpop (erf);
	v24 =	vand.u32 $0x7F, v22;
	v22 =	vadd.s32 s6, v0  }
.LBB2_11:
0x1ad: {  	p0 =	slt.u32 s3, $0x78;
	v24 =	vor.u32 v3, v24;
	v29 =	vadd.f32 $1.000000000e+00, v21;
	(erf) = vrcp.f32 v23  }
0x1ae: {  	v18 =	vand.u32 $0x7F, v18;
	v19 =	vand.u32 $0x7F, v19;
	v16 =	vand.u32 $0x7F, v16;
	v23 =	vld.idx.msk [tilespmem:v13+s0+$0x0], $0xffff;
	v26 =	vpop (erf)  }
0x1af: {  	v18 =	vor.u32 v3, v18;
	v27 =	vld.idx.msk [tilespmem:v6+s2+$0x0], $0xffff;
	v30 =	vadd.f32 $1.000000000e+00, v26;
	(erf) = vrcp.f32 v29;
	v6 =	vmovc v13  }
0x1b0: {  	v22 =	vand.u32 $0x7F, v22;
	v17 =	vand.u32 $0x7F, v17;
	v16 =	vor.u32 v3, v16;
	v13 =	vld.idx.msk [tilespmem:v8+s0+$0x0], $0xffff;
	v25 =	vpop (erf)  }
0x1b1: {  	v20 =	vsub.f32 $1.000000000e+00, v20;
	v11 =	vld.idx.msk [tilespmem:v11+s2+$0x0], $0xffff;
	v33 =	vadd.f32 $1.000000000e+00, v25;
	(erf) = vrcp.f32 v30;
	v28 =	vpop (erf)  }
0x1b2: {  	v22 =	vor.u32 v3, v22;
	v17 =	vor.u32 v3, v17;
	v30 =	vld.idx.msk [tilespmem:v24+s0+$0x0], $0xffff;
	v31 =	vadd.f32 $1.000000000e+00, v28;
	v32 =	vpop (erf)  }
0x1b3: {  	v15 =	vsub.f32 $1.000000000e+00, v15;
	v20 =	vmul.f32 v32, v20;
	v32 =	vld.idx.msk [tilespmem:v5+s2+$0x0], $0xffff;
	(erf) = vrcp.f32 v33;
	v29 =	vpop (erf)  }
0x1b4: {  	v23 =	vsub.f32 $0.0e+00, v23;
	v33 =	vld.idx.msk [tilespmem:v18+s0+$0x0], $0xffff;
	v34 =	vadd.f32 $1.000000000e+00, v29;
	v5 =	vpop (erf);
	(erf) = vrcp.f32 v31  }
0x1b5: {  	v14 =	vsub.f32 $1.000000000e+00, v14;
	v20 =	vmul.f32 v20, v27;
	v15 =	vmul.f32 v5, v15;
	v10 =	vld.idx.msk [tilespmem:v10+s2+$0x0], $0xffff;
	v5 =	vmovc v24  }
0x1b6: {  	v21 =	vsub.f32 $1.000000000e+00, v21;
	v13 =	vsub.f32 $0.0e+00, v13;
	v24 =	vpop (erf);
	(erf) = vrcp.f32 v34  }
0x1b7: {  	v12 =	vadd.f32 v20, v12;
	v11 =	vmul.f32 v15, v11;
	v14 =	vmul.f32 v24, v14;
	v9 =	vld.idx.msk [tilespmem:v9+s2+$0x0], $0xffff  }
0x1b8: {  	v19 =	vor.u32 v3, v19;
	v15 =	vsub.f32 $0.0e+00, v30;
	v20 =	vsub.f32 $1.000000000e+00, v26;
	v24 =	vpop (erf)  }
0x1b9: {  	v11 =	vadd.f32 v11, v12;
	v12 =	vmul.f32 v14, v32;
	v14 =	vmul.f32 v24, v21;
	v7 =	vld.idx.msk [tilespmem:v7+s2+$0x0], $0xffff  }
0x1ba: {  	v30 =	vsub.f32 $1.000000000e+00, v25;
	v21 =	vmul.f32 $1.442695020e+00, v23;
	v27 =	vsub.f32 $0.0e+00, v33;
	v24 =	vld.idx.msk [tilespmem:v22+s0+$0x0], $0xffff;
	v26 =	vpop (erf)  }
0x1bb: {  	v31 =	vadd.f32 v12, v11;
	v10 =	vmul.f32 v14, v10;
	v12 =	vmul.f32 v26, v20;
	v4 =	vld.idx.msk [tilespmem:v4+s2+$0x0], $0xffff  }
0x1bc: {  	v14 =	vmul.f32 $1.442695020e+00, v27;
	v27 =	vsub.f32 $1.000000000e+00, v28;
	v20 =	vld.idx.msk [tilespmem:v17+s0+$0x0], $0xffff;
	(erf) = vpow2.f32 v21;
	v23 =	vpop (erf)  }
0x1bd: {  	v10 =	vadd.f32 v10, v31;
	v28 =	vmul.f32 v12, v9;
	v12 =	vmul.f32 v23, v30;
	v23 =	vld.idx.msk [tilespmem:v2+s2+$0x0], $0xffff;
	v25 =	vpop (erf)  }
0x1be: {  	v15 =	vmul.f32 $1.442695020e+00, v15;
	v11 =	vmovc v18;
	v2 =	vmovc v16;
	v26 =	vld.idx.msk [tilespmem:v19+s0+$0x0], $0xffff;
	(erf) = vpow2.f32 v14;
	v14 =	vsub.f32 $1.000000000e+00, v29  }
0x1bf: {  	v18 =	vmul.f32 v25, v27;
	v28 =	vadd.f32 v28, v10;
	v12 =	vmul.f32 v12, v7;
	v21 =	vpop (erf)  }
0x1c0: {  	v13 =	vmul.f32 $1.442695020e+00, v13;
	v9 =	vmovc v22;
	v24 =	vsub.f32 $0.0e+00, v24;
	v7 =	vmovc v17;
	v25 =	vld.idx.msk [tilespmem:v16+s0+$0x0], $0xffff;
	(erf) = vpow2.f32 v15  }
0x1c1: {  	v15 =	vmul.f32 v18, v4;
	v14 =	vmul.f32 v21, v14;
	v4 =	vmovc v19;
	v12 =	vadd.f32 v12, v28  }
0x1c2: {  	v18 =	vadd.s32 s3, v0;
	v17 =	vmul.f32 $1.442695020e+00, v24;
	v21 =	vsub.f32 $0.0e+00, v20;
	v10 =	vmovc v8  }
0x1c3: {  	s5 =	sadd.s32 $0x6, s3;
	s6 =	sadd.s32 $0x7, s3;
	(erf) = vpow2.f32 v13;
	v8 =	vadd.f32 v15, v12;
	v12 =	vmul.f32 v14, v23  }
0x1c4: {  	v19 =	vadd.s32 s5, v0;
	v16 =	vadd.s32 s6, v0;
	v13 =	vsub.f32 $0.0e+00, v26  }
0x1c5: {  	s5 =	sadd.s32 $0x5, s3;
	v14 =	vmul.f32 $1.442695020e+00, v21;
	v20 =	vpop (erf);
	(erf) = vpow2.f32 v17;
	v12 =	vadd.f32 v12, v8  }
0x1c6: {  	s6 =	sadd.s32 $0x3, s3;
	v17 =	vadd.s32 s5, v0;
	v8 =	vmul.f32 $1.442695020e+00, v13;
	v13 =	vsub.f32 $0.0e+00, v25  }
0x1c7: {  	v21 =	vadd.s32 s6, v0;
	v22 =	vadd.f32 $1.000000000e+00, v20;
	v15 =	vpop (erf);
	(erf) = vpow2.f32 v14  }
.Ltmp4:
0x1c8: {  	v23 =	vand.u32 $0x7F, v18;
	v18 =	vmul.f32 $1.442695020e+00, v13;
	(erf) = vpow2.f32 v8;
	(pc) =	sbr.rel @p0 .LBB2_11-.Ltmp4, $4  }
0x1c9: {  	s5 =	sadd.s32 $0x2, s3;
	v13 =	vor.u32 v3, v23;
	v24 =	vadd.f32 $1.000000000e+00, v15;
	(erf) = vrcp.f32 v22;
	v14 =	vpop (erf)  }
0x1ca: {  	v8 =	vand.u32 $0x7F, v21;
	v22 =	vadd.s32 s5, v0;
	(erf) = vpow2.f32 v18  }
0x1cb: {  	s6 =	sadd.s32 $0x4, s3;
	s5 =	sadd.s32 $0x1, s3;
	v8 =	vor.u32 v3, v8;
	v23 =	vadd.f32 $1.000000000e+00, v14;
	(erf) = vrcp.f32 v24  }
0x1cc: {  	s3 =	sadd.s32 $0x8, s3;
	v18 =	vadd.s32 s5, v0;
	v24 =	vand.u32 $0x7F, v22;
	v22 =	vadd.s32 s6, v0;
	v21 =	vpop (erf)  }
0x1cd: {  	v18 =	vand.u32 $0x7F, v18  }
0x1ce: {  	v25 =	vor.u32 v3, v18;
	_ =	sdelay $0x1  }
0x1cf: {  	v18 =	vor.u32 v3, v24  }
0x1d0: {  	v50 =	vld.idx.msk [tilespmem:v13+s0+$0x0], $0xffff  }
0x1d1: {  	v26 =	vadd.f32 $1.000000000e+00, v21;
	(erf) = vrcp.f32 v23;
	v51 =	vpop (erf)  }
0x1d2: {  	v19 =	vand.u32 $0x7F, v19;
	v22 =	vand.u32 $0x7F, v22;
	v30 =	vand.u32 $0x7F, v16;
	v28 =	vpop (erf);
	v29 =	vld.idx.msk [tilespmem:v25+s0+$0x0], $0xffff  }
0x1d3: {  	v17 =	vand.u32 $0x7F, v17;
	v16 =	vor.u32 v3, v22;
	v27 =	vadd.f32 $1.000000000e+00, v51;
	v52 =	vpop (erf)  }
0x1d4: {  	v17 =	vor.u32 v3, v17;
	(erf) = vrcp.f32 v26;
	v53 =	vadd.f32 $1.000000000e+00, v28;
	v31 =	vpop (erf);
	v54 =	vld.idx.msk [tilespmem:v18+s0+$0x0], $0xffff  }
0x1d5: {  	(erf) = vrcp.f32 v27;
	v32 =	vadd.f32 $1.000000000e+00, v52;
	v24 =	vsub.f32 $0.0e+00, v50;
	v33 =	vpop (erf)  }
0x1d6: {  	v34 =	vld.idx.msk [tilespmem:v8+s0+$0x0], $0xffff;
	v19 =	vor.u32 v3, v19;
	(erf) = vrcp.f32 v53;
	v55 =	vadd.f32 $1.000000000e+00, v33  }
0x1d7: {  	v6 =	vld.idx.msk [tilespmem:v6+s2+$0x0], $0xffff;
	(erf) = vrcp.f32 v32;
	v24 =	vmul.f32 $1.442695020e+00, v24;
	v29 =	vsub.f32 $0.0e+00, v29  }
0x1d8: {  	v20 =	vsub.f32 $1.000000000e+00, v20;
	v3 =	vor.u32 v3, v30;
	v56 =	vld.idx.msk [tilespmem:v16+s0+$0x0], $0xffff;
	(erf) = vrcp.f32 v55  }
0x1d9: {  	v11 =	vld.idx.msk [tilespmem:v11+s2+$0x0], $0xffff;
	(erf) = vpow2.f32 v24;
	v27 =	vsub.f32 $0.0e+00, v54;
	v29 =	vmul.f32 $1.442695020e+00, v29  }
0x1da: {  	v15 =	vsub.f32 $1.000000000e+00, v15;
	v14 =	vsub.f32 $1.000000000e+00, v14;
	v57 =	vld.idx.msk [tilespmem:v17+s0+$0x0], $0xffff  }
0x1db: {  	v59 =	vsub.f32 $0.0e+00, v34;
	v60 =	vld.idx.msk [tilespmem:v19+s0+$0x0], $0xffff;
	v58 =	vpop (erf);
	v27 =	vmul.f32 $1.442695020e+00, v27;
	(erf) = vpow2.f32 v29  }
0x1dc: {  	v5 =	vld.idx.msk [tilespmem:v5+s2+$0x0], $0xffff;
	v35 =	vsub.f32 $1.000000000e+00, v21;
	v23 =	vsub.f32 $1.000000000e+00, v51;
	v20 =	vmul.f32 v31, v20;
	v61 =	vpop (erf)  }
0x1dd: {  	v34 =	vld.idx.msk [tilespmem:v3+s0+$0x0], $0xffff;
	v63 =	vmul.f32 $1.442695020e+00, v59;
	v62 =	vpop (erf);
	v22 =	vsub.f32 $0.0e+00, v56;
	(erf) = vpow2.f32 v27  }
0x1de: {  	v45 =	vsub.f32 $1.000000000e+00, v28;
	v6 =	vmul.f32 v20, v6;
	v15 =	vmul.f32 v58, v15;
	v36 =	vpop (erf)  }
0x1df: {  	v24 =	vsub.f32 $0.0e+00, v57;
	v22 =	vmul.f32 $1.442695020e+00, v22;
	v37 =	vpop (erf);
	(erf) = vpow2.f32 v63  }
0x1e0: {  	v10 =	vld.idx.msk [tilespmem:v10+s2+$0x0], $0xffff;
	v11 =	vmul.f32 v15, v11;
	v14 =	vmul.f32 v61, v14;
	v39 =	vsub.f32 $0.0e+00, v60;
	v38 =	vpop (erf)  }
0x1e1: {  	v6 =	vadd.f32 v6, v12;
	v24 =	vmul.f32 $1.442695020e+00, v24;
	v40 =	vpop (erf);
	(erf) = vpow2.f32 v22  }
0x1e2: {  	v43 =	vsub.f32 $0.0e+00, v34;
	v5 =	vmul.f32 v14, v5;
	v42 =	vmul.f32 $1.442695020e+00, v39;
	v41 =	vpop (erf)  }
0x1e3: {  	v9 =	vld.idx.msk [tilespmem:v9+s2+$0x0], $0xffff;
	v20 =	vmul.f32 v62, v35;
	(erf) = vpow2.f32 v24;
	v44 =	vadd.f32 $1.000000000e+00, v41  }
0x1e4: {  	v6 =	vadd.f32 v11, v6;
	v29 =	vmul.f32 $1.442695020e+00, v43;
	v46 =	vpop (erf);
	(erf) = vpow2.f32 v42  }
0x1e5: {  	v7 =	vld.idx.msk [tilespmem:v7+s2+$0x0], $0xffff;
	v10 =	vmul.f32 v20, v10;
	v47 =	vadd.f32 $1.000000000e+00, v46;
	(erf) = vrcp.f32 v44  }
0x1e6: {  	v5 =	vadd.f32 v5, v6;
	v48 =	vmul.f32 v36, v23;
	v49 =	vpop (erf);
	(erf) = vpow2.f32 v29  }
0x1e7: {  	v4 =	vld.idx.msk [tilespmem:v4+s2+$0x0], $0xffff;
	v50 =	vsub.f32 $1.000000000e+00, v52;
	v51 =	vadd.f32 $1.000000000e+00, v49;
	(erf) = vrcp.f32 v47  }
0x1e8: {  	v5 =	vadd.f32 v10, v5;
	v6 =	vmul.f32 v48, v9;
	v52 =	vmul.f32 v37, v45;
	v53 =	vpop (erf)  }
0x1e9: {  	v2 =	vld.idx.msk [tilespmem:v2+s2+$0x0], $0xffff;
	v54 =	vsub.f32 $1.000000000e+00, v33;
	v55 =	vadd.f32 $1.000000000e+00, v53;
	(erf) = vrcp.f32 v51  }
0x1ea: {  	v57 =	vmul.f32 v38, v50;
	v5 =	vadd.f32 v6, v5;
	v56 =	vmul.f32 v52, v7;
	v58 =	vpop (erf)  }
0x1eb: {  	v59 =	vadd.f32 $1.000000000e+00, v58;
	(erf) = vrcp.f32 v55  }
0x1ec: {  	v61 =	vld.idx.msk [tilespmem:v13+s2+$0x0], $0xffff;
	v4 =	vmul.f32 v57, v4;
	v60 =	vmul.f32 v40, v54;
	v5 =	vadd.f32 v56, v5;
	v62 =	vpop (erf)  }
0x1ed: {  	v63 =	vsub.f32 $1.000000000e+00, v41;
	v24 =	vadd.f32 $1.000000000e+00, v62;
	(erf) = vrcp.f32 v59;
	v26 =	vpop (erf)  }
0x1ee: {  	v27 =	vld.idx.msk [tilespmem:v25+s2+$0x0], $0xffff;
	v2 =	vmul.f32 v60, v2;
	v4 =	vadd.f32 v4, v5;
	v29 =	vadd.f32 $1.000000000e+00, v26;
	v30 =	vpop (erf)  }
0x1ef: {  	v31 =	vsub.f32 $1.000000000e+00, v46;
	(erf) = vrcp.f32 v24;
	v13 =	vmul.f32 v30, v63;
	v32 =	vpop (erf)  }
0x1f0: {  	v33 =	vld.idx.msk [tilespmem:v18+s2+$0x0], $0xffff;
	v2 =	vadd.f32 v2, v4;
	v34 =	vadd.f32 $1.000000000e+00, v32;
	v35 =	vpop (erf);
	(erf) = vrcp.f32 v29  }
0x1f1: {  	v12 =	vsub.f32 $1.000000000e+00, v49;
	v36 =	vmul.f32 v13, v61;
	v37 =	vmul.f32 v35, v31  }
0x1f2: {  	v38 =	vld.idx.msk [tilespmem:v8+s2+$0x0], $0xffff;
	v10 =	vsub.f32 $1.000000000e+00, v53;
	v39 =	vpop (erf);
	(erf) = vrcp.f32 v34  }
0x1f3: {  	v40 =	vmul.f32 v39, v12;
	v2 =	vadd.f32 v36, v2;
	v5 =	vmul.f32 v37, v27  }
0x1f4: {  	v41 =	vld.idx.msk [tilespmem:v16+s2+$0x0], $0xffff;
	v9 =	vsub.f32 $1.000000000e+00, v58;
	v42 =	vpop (erf)  }
0x1f5: {  	v43 =	vmul.f32 v42, v10;
	v4 =	vmul.f32 v40, v33;
	v2 =	vadd.f32 v5, v2  }
0x1f6: {  	v44 =	vld.idx.msk [tilespmem:v17+s2+$0x0], $0xffff;
	v45 =	vsub.f32 $1.000000000e+00, v62;
	v46 =	vpop (erf)  }
0x1f7: {  	v48 =	vmul.f32 v46, v9;
	v47 =	vmul.f32 v43, v38;
	v2 =	vadd.f32 v4, v2  }
0x1f8: {  	v49 =	vld.idx.msk [tilespmem:v19+s2+$0x0], $0xffff;
	v50 =	vsub.f32 $1.000000000e+00, v26;
	v51 =	vpop (erf)  }
0x1f9: {  	v52 =	vmul.f32 v48, v41;
	v53 =	vmul.f32 v51, v45;
	v2 =	vadd.f32 v47, v2  }
0x1fa: {  	v3 =	vld.idx.msk [tilespmem:v3+s2+$0x0], $0xffff;
	v55 =	vsub.f32 $1.000000000e+00, v32;
	v54 =	vpop (erf)  }
0x1fb: {  	v56 =	vmul.f32 v53, v44;
	v57 =	vmul.f32 v54, v50;
	v2 =	vadd.f32 v52, v2  }
0x1fc: {  	v58 =	vpop (erf)  }
0x1fd: {  	v59 =	vmul.f32 v57, v49;
	v60 =	vmul.f32 v58, v55;
	v2 =	vadd.f32 v56, v2;
	_ =	sdelay $0x1  }
0x1fe: {  	v3 =	vmul.f32 v60, v3;
	v2 =	vadd.f32 v59, v2;
	_ =	sdelay $0x1  }
0x1ff: {  	v2 =	vadd.f32 v3, v2;
	_ =	sdelay $0x1  }
0x200: {  	v2 =	vmul.f32 $-5.000000000e-01, v2;
	_ =	sdelay $0x1  }
0x201: {  	v2 =	vmul.f32 $1.999999960e-02, v2;
	_ =	sdelay $0x1  }
0x202: {  	v2 =	vadd.f32 $0.0e+00, v2;
	_ =	sdelay $0x1  }
0x203: {  	v2 =	vmul.f32 $1.442695020e+00, v2;
	_ =	sdelay $0x1  }
0x204: {  	(erf) = vpow2.f32 v2;
	_ =	sdelay $0x3  }
0x205: {  	v2 =	vld [tilespmem:s29+$0x10500];
	_ =	sdelay $0x4  }
0x206: {  	v2 =	vsub.f32 $0.0e+00, v2;
	v3 =	vpop (erf)  }
0x207: {  	v3 =	vadd.f32 $1.000000000e+00, v3  }
0x208: {  	v2 =	vmul.f32 $1.442695020e+00, v2  }
0x209: {  	(erf) = vrcp.f32 v3  }
0x20a: {  	(erf) = vpow2.f32 v2;
	_ =	sdelay $0x3  }
0x20b: {  	v2 =	vld [tilespmem:s29+$0x10700];
	_ =	sdelay $0x3  }
0x20c: {  	v3 =	vpop (erf)  }
0x20d: {  	v2 =	vsub.f32 $0.0e+00, v2;
	v61 =	vpop (erf)  }
0x20e: {  	v4 =	vadd.f32 $1.000000000e+00, v61  }
0x20f: {  	v2 =	vmul.f32 $1.442695020e+00, v2  }
0x210: {  	(erf) = vrcp.f32 v4  }
0x211: {  	(erf) = vpow2.f32 v2;
	_ =	sdelay $0x7  }
0x212: {  	v2 =	vpop (erf)  }
0x213: {  	v62 =	vpop (erf)  }
0x214: {  	v4 =	vadd.f32 $1.000000000e+00, v62;
	_ =	sdelay $0x1  }
0x215: {  	(erf) = vrcp.f32 v4;
	_ =	sdelay $0x7  }
0x216: {  	v2 =	vmul.f32 $4.000000060e-01, v2  }
0x217: {  	v4 =	vpop (erf)  }
0x218: {  	s28 =	sadd.s32 $0x1, s28;
	v63 =	vsub.f32 $1.000000000e+00, v3;
	v2 =	vsub.f32 $1.000000000e+00, v2;
	v4 =	vmul.f32 $4.000000060e-01, v4  }
0x219: {  	p0 =	sne.s32 s28, $0x8  }
.Ltmp5:
0x21a: {  	v2 =	vmul.f32 v2, v3;
	v3 =	vmul.f32 v4, v63;
	(pc) =	sbr.rel @p0 .LBB2_10-.Ltmp5, $3  }
0x21b: {  	_ = 	snop  }
0x21c: {  	v2 =	vadd.f32 v3, v2;
	_ =	sdelay $0x1  }
0x21d: {  	[tilespmem:s29+$0x10900] =	vst v2  }
0x21e: {  	_ =	swait.ge [sflag:s26], $0x4000  }
0x21f: {  	[sflag:s26] =	ssyncset.done $0x0  }
0x220: {  	[sflag:s26] =	ssyncadd.s32 $0xFFFFC000  }
0x221: {  	_ =	swait.ge [sflag:s26], $0x4000  }
0x222: {  	[sflag:s26] =	ssyncset.done $0x0  }
0x223: {  	s25 =	simm.s32 $0x0;
	s28 =	simm.s32 $0x0;
	[sflag:s26] =	ssyncadd.s32 $0xFFFFC000  }
.LBB2_14:
0x224: {  	s29 =	sshll.u32 s28, $0x4  }
0x225: {  	v2 =	vmov s29  }
0x226: {  	v4 =	vadd.s32 s25, v0;
	v2 =	vshll.u32 v2, $0x7  }
0x227: {  	s3 =	simm.s32 $0x1;
	v3 =	vor.u32 v1, v2;
	v2 =	vand.u32 $0x7F, v4  }
0x228: {  	v6 =	vor.u32 v3, v2;
	v2 =	vadd.s32 s3, v0  }
0x229: {  	s5 =	simm.s32 $0x2;
	v2 =	vand.u32 $0x7F, v2  }
0x22a: {  	v4 =	vadd.s32 s5, v0;
	v11 =	vor.u32 v3, v2  }
0x22b: {  	s6 =	simm.s32 $0x3;
	v2 =	vand.u32 $0x7F, v4  }
0x22c: {  	v4 =	vadd.s32 s6, v0;
	v5 =	vor.u32 v3, v2  }
0x22d: {  	s5 =	simm.s32 $0x4;
	v2 =	vand.u32 $0x7F, v4;
	v4 =	vld.idx.msk [tilespmem:v6+s21+$0x0], $0xffff  }
0x22e: {  	v10 =	vor.u32 v3, v2;
	v2 =	vadd.s32 s5, v0  }
0x22f: {  	s6 =	simm.s32 $0x5;
	v2 =	vand.u32 $0x7F, v2;
	v8 =	vld.idx.msk [tilespmem:v11+s21+$0x0], $0xffff  }
0x230: {  	v7 =	vadd.s32 s6, v0;
	s5 =	simm.s32 $0x6;
	v9 =	vor.u32 v3, v2  }
0x231: {  	v7 =	vand.u32 $0x7F, v7;
	v2 =	vadd.s32 s5, v0;
	v12 =	vld.idx.msk [tilespmem:v5+s21+$0x0], $0xffff  }
0x232: {  	v7 =	vor.u32 v3, v7;
	s5 =	simm.s32 $0x7;
	v2 =	vand.u32 $0x7F, v2;
	v13 =	vsub.f32 $0.0e+00, v4  }
0x233: {  	v14 =	vadd.s32 s5, v0;
	v15 =	vld.idx.msk [tilespmem:v10+s21+$0x0], $0xffff;
	v4 =	vor.u32 v3, v2  }
0x234: {  	v2 =	vand.u32 $0x7F, v14;
	v13 =	vmul.f32 $1.442695020e+00, v13;
	v8 =	vsub.f32 $0.0e+00, v8  }
0x235: {  	v2 =	vor.u32 v3, v2;
	v14 =	vld.idx.msk [tilespmem:v9+s21+$0x0], $0xffff  }
0x236: {  	v12 =	vsub.f32 $0.0e+00, v12;
	v8 =	vmul.f32 $1.442695020e+00, v8;
	(erf) = vpow2.f32 v13  }
0x237: {  	v13 =	vld.idx.msk [tilespmem:v7+s21+$0x0], $0xffff  }
0x238: {  	v15 =	vsub.f32 $0.0e+00, v15;
	v12 =	vmul.f32 $1.442695020e+00, v12;
	v16 =	vld.idx.msk [tilespmem:v4+s21+$0x0], $0xffff;
	(erf) = vpow2.f32 v8;
	_ =	sdelay $0x1  }
0x239: {  	s5 =	simm.s32 $0xE;
	v8 =	vmul.f32 $1.442695020e+00, v15;
	v14 =	vsub.f32 $0.0e+00, v14;
	v15 =	vld.idx.msk [tilespmem:v2+s21+$0x0], $0xffff;
	(erf) = vpow2.f32 v12  }
0x23a: {  	v19 =	vadd.s32 s5, v0  }
0x23b: {  	s6 =	simm.s32 $0x8;
	s5 =	simm.s32 $0xD;
	v14 =	vmul.f32 $1.442695020e+00, v14;
	(erf) = vpow2.f32 v8;
	v13 =	vsub.f32 $0.0e+00, v13  }
0x23c: {  	v17 =	vadd.s32 s5, v0;
	v8 =	vadd.s32 s6, v0;
	v18 =	vsub.f32 $0.0e+00, v16  }
0x23d: {  	s6 =	simm.s32 $0xF;
	v8 =	vand.u32 $0x7F, v8;
	(erf) = vpow2.f32 v14;
	v13 =	vmul.f32 $1.442695020e+00, v13  }
0x23e: {  	v16 =	vadd.s32 s6, v0;
	s6 =	simm.s32 $0xB;
	v14 =	vmul.f32 $1.442695020e+00, v18;
	v18 =	vsub.f32 $0.0e+00, v15;
	v20 =	vpop (erf)  }
0x23f: {  	v21 =	vadd.s32 s6, v0;
	(erf) = vpow2.f32 v13;
	v22 =	vadd.f32 $1.000000000e+00, v20  }
0x240: {  	v13 =	vor.u32 v3, v8;
	v18 =	vmul.f32 $1.442695020e+00, v18;
	(erf) = vpow2.f32 v14;
	v15 =	vpop (erf)  }
0x241: {  	v8 =	vand.u32 $0x7F, v21;
	v24 =	vadd.f32 $1.000000000e+00, v15;
	(erf) = vrcp.f32 v22  }
0x242: {  	v12 =	vimm.f32 $0.0e+00;
	s6 =	simm.s32 $0xA;
	v8 =	vor.u32 v3, v8;
	v14 =	vpop (erf);
	(erf) = vpow2.f32 v18  }
0x243: {  	s5 =	simm.s32 $0x9;
	v22 =	vadd.s32 s6, v0;
	s6 =	simm.s32 $0xC;
	v23 =	vadd.f32 $1.000000000e+00, v14;
	(erf) = vrcp.f32 v24  }
0x244: {  	s3 =	simm.s32 $0x10;
	v18 =	vadd.s32 s5, v0;
	v21 =	vpop (erf);
	v24 =	vand.u32 $0x7F, v22;
	v22 =	vadd.s32 s6, v0  }
.LBB2_15:
0x245: {  	p0 =	slt.u32 s3, $0x78;
	v24 =	vor.u32 v3, v24;
	v29 =	vadd.f32 $1.000000000e+00, v21;
	(erf) = vrcp.f32 v23  }
0x246: {  	v18 =	vand.u32 $0x7F, v18;
	v19 =	vand.u32 $0x7F, v19;
	v16 =	vand.u32 $0x7F, v16;
	v23 =	vld.idx.msk [tilespmem:v13+s21+$0x0], $0xffff;
	v26 =	vpop (erf)  }
0x247: {  	v18 =	vor.u32 v3, v18;
	v27 =	vld.idx.msk [tilespmem:v6+s22+$0x0], $0xffff;
	v30 =	vadd.f32 $1.000000000e+00, v26;
	(erf) = vrcp.f32 v29;
	v6 =	vmovc v13  }
0x248: {  	v22 =	vand.u32 $0x7F, v22;
	v17 =	vand.u32 $0x7F, v17;
	v16 =	vor.u32 v3, v16;
	v13 =	vld.idx.msk [tilespmem:v8+s21+$0x0], $0xffff;
	v25 =	vpop (erf)  }
0x249: {  	v20 =	vsub.f32 $1.000000000e+00, v20;
	v11 =	vld.idx.msk [tilespmem:v11+s22+$0x0], $0xffff;
	v33 =	vadd.f32 $1.000000000e+00, v25;
	(erf) = vrcp.f32 v30;
	v28 =	vpop (erf)  }
0x24a: {  	v22 =	vor.u32 v3, v22;
	v17 =	vor.u32 v3, v17;
	v30 =	vld.idx.msk [tilespmem:v24+s21+$0x0], $0xffff;
	v31 =	vadd.f32 $1.000000000e+00, v28;
	v32 =	vpop (erf)  }
0x24b: {  	v15 =	vsub.f32 $1.000000000e+00, v15;
	v20 =	vmul.f32 v32, v20;
	v32 =	vld.idx.msk [tilespmem:v5+s22+$0x0], $0xffff;
	(erf) = vrcp.f32 v33;
	v29 =	vpop (erf)  }
0x24c: {  	v23 =	vsub.f32 $0.0e+00, v23;
	v33 =	vld.idx.msk [tilespmem:v18+s21+$0x0], $0xffff;
	v34 =	vadd.f32 $1.000000000e+00, v29;
	v5 =	vpop (erf);
	(erf) = vrcp.f32 v31  }
0x24d: {  	v14 =	vsub.f32 $1.000000000e+00, v14;
	v20 =	vmul.f32 v20, v27;
	v15 =	vmul.f32 v5, v15;
	v10 =	vld.idx.msk [tilespmem:v10+s22+$0x0], $0xffff;
	v5 =	vmovc v24  }
0x24e: {  	v21 =	vsub.f32 $1.000000000e+00, v21;
	v13 =	vsub.f32 $0.0e+00, v13;
	v24 =	vpop (erf);
	(erf) = vrcp.f32 v34  }
0x24f: {  	v12 =	vadd.f32 v20, v12;
	v11 =	vmul.f32 v15, v11;
	v14 =	vmul.f32 v24, v14;
	v9 =	vld.idx.msk [tilespmem:v9+s22+$0x0], $0xffff  }
0x250: {  	v19 =	vor.u32 v3, v19;
	v15 =	vsub.f32 $0.0e+00, v30;
	v20 =	vsub.f32 $1.000000000e+00, v26;
	v24 =	vpop (erf)  }
0x251: {  	v11 =	vadd.f32 v11, v12;
	v12 =	vmul.f32 v14, v32;
	v14 =	vmul.f32 v24, v21;
	v7 =	vld.idx.msk [tilespmem:v7+s22+$0x0], $0xffff  }
0x252: {  	v30 =	vsub.f32 $1.000000000e+00, v25;
	v21 =	vmul.f32 $1.442695020e+00, v23;
	v27 =	vsub.f32 $0.0e+00, v33;
	v24 =	vld.idx.msk [tilespmem:v22+s21+$0x0], $0xffff;
	v26 =	vpop (erf)  }
0x253: {  	v31 =	vadd.f32 v12, v11;
	v10 =	vmul.f32 v14, v10;
	v12 =	vmul.f32 v26, v20;
	v4 =	vld.idx.msk [tilespmem:v4+s22+$0x0], $0xffff  }
0x254: {  	v14 =	vmul.f32 $1.442695020e+00, v27;
	v27 =	vsub.f32 $1.000000000e+00, v28;
	v20 =	vld.idx.msk [tilespmem:v17+s21+$0x0], $0xffff;
	(erf) = vpow2.f32 v21;
	v23 =	vpop (erf)  }
0x255: {  	v10 =	vadd.f32 v10, v31;
	v28 =	vmul.f32 v12, v9;
	v12 =	vmul.f32 v23, v30;
	v23 =	vld.idx.msk [tilespmem:v2+s22+$0x0], $0xffff;
	v25 =	vpop (erf)  }
0x256: {  	v15 =	vmul.f32 $1.442695020e+00, v15;
	v11 =	vmovc v18;
	v2 =	vmovc v16;
	v26 =	vld.idx.msk [tilespmem:v19+s21+$0x0], $0xffff;
	(erf) = vpow2.f32 v14;
	v14 =	vsub.f32 $1.000000000e+00, v29  }
0x257: {  	v18 =	vmul.f32 v25, v27;
	v28 =	vadd.f32 v28, v10;
	v12 =	vmul.f32 v12, v7;
	v21 =	vpop (erf)  }
0x258: {  	v13 =	vmul.f32 $1.442695020e+00, v13;
	v9 =	vmovc v22;
	v24 =	vsub.f32 $0.0e+00, v24;
	v7 =	vmovc v17;
	v25 =	vld.idx.msk [tilespmem:v16+s21+$0x0], $0xffff;
	(erf) = vpow2.f32 v15  }
0x259: {  	v15 =	vmul.f32 v18, v4;
	v14 =	vmul.f32 v21, v14;
	v4 =	vmovc v19;
	v12 =	vadd.f32 v12, v28  }
0x25a: {  	v18 =	vadd.s32 s3, v0;
	v17 =	vmul.f32 $1.442695020e+00, v24;
	v21 =	vsub.f32 $0.0e+00, v20;
	v10 =	vmovc v8  }
0x25b: {  	s5 =	sadd.s32 $0x6, s3;
	s6 =	sadd.s32 $0x7, s3;
	(erf) = vpow2.f32 v13;
	v8 =	vadd.f32 v15, v12;
	v12 =	vmul.f32 v14, v23  }
0x25c: {  	v19 =	vadd.s32 s5, v0;
	v16 =	vadd.s32 s6, v0;
	v13 =	vsub.f32 $0.0e+00, v26  }
0x25d: {  	s5 =	sadd.s32 $0x5, s3;
	v14 =	vmul.f32 $1.442695020e+00, v21;
	v20 =	vpop (erf);
	(erf) = vpow2.f32 v17;
	v12 =	vadd.f32 v12, v8  }
0x25e: {  	s6 =	sadd.s32 $0x3, s3;
	v17 =	vadd.s32 s5, v0;
	v8 =	vmul.f32 $1.442695020e+00, v13;
	v13 =	vsub.f32 $0.0e+00, v25  }
0x25f: {  	v21 =	vadd.s32 s6, v0;
	v22 =	vadd.f32 $1.000000000e+00, v20;
	v15 =	vpop (erf);
	(erf) = vpow2.f32 v14  }
.Ltmp6:
0x260: {  	v23 =	vand.u32 $0x7F, v18;
	v18 =	vmul.f32 $1.442695020e+00, v13;
	(erf) = vpow2.f32 v8;
	(pc) =	sbr.rel @p0 .LBB2_15-.Ltmp6, $4  }
0x261: {  	s5 =	sadd.s32 $0x2, s3;
	v13 =	vor.u32 v3, v23;
	v24 =	vadd.f32 $1.000000000e+00, v15;
	(erf) = vrcp.f32 v22;
	v14 =	vpop (erf)  }
0x262: {  	v8 =	vand.u32 $0x7F, v21;
	v22 =	vadd.s32 s5, v0;
	(erf) = vpow2.f32 v18  }
0x263: {  	s6 =	sadd.s32 $0x4, s3;
	s5 =	sadd.s32 $0x1, s3;
	v8 =	vor.u32 v3, v8;
	v23 =	vadd.f32 $1.000000000e+00, v14;
	(erf) = vrcp.f32 v24  }
0x264: {  	s3 =	sadd.s32 $0x8, s3;
	v18 =	vadd.s32 s5, v0;
	v24 =	vand.u32 $0x7F, v22;
	v22 =	vadd.s32 s6, v0;
	v21 =	vpop (erf)  }
0x265: {  	v18 =	vand.u32 $0x7F, v18  }
0x266: {  	v25 =	vor.u32 v3, v18;
	_ =	sdelay $0x1  }
0x267: {  	v18 =	vor.u32 v3, v24  }
0x268: {  	v50 =	vld.idx.msk [tilespmem:v13+s21+$0x0], $0xffff  }
0x269: {  	v26 =	vadd.f32 $1.000000000e+00, v21;
	(erf) = vrcp.f32 v23;
	v51 =	vpop (erf)  }
0x26a: {  	v19 =	vand.u32 $0x7F, v19;
	v22 =	vand.u32 $0x7F, v22;
	v30 =	vand.u32 $0x7F, v16;
	v28 =	vpop (erf);
	v29 =	vld.idx.msk [tilespmem:v25+s21+$0x0], $0xffff  }
0x26b: {  	v17 =	vand.u32 $0x7F, v17;
	v16 =	vor.u32 v3, v22;
	v27 =	vadd.f32 $1.000000000e+00, v51;
	v52 =	vpop (erf)  }
0x26c: {  	v17 =	vor.u32 v3, v17;
	(erf) = vrcp.f32 v26;
	v53 =	vadd.f32 $1.000000000e+00, v28;
	v31 =	vpop (erf);
	v54 =	vld.idx.msk [tilespmem:v18+s21+$0x0], $0xffff  }
0x26d: {  	(erf) = vrcp.f32 v27;
	v32 =	vadd.f32 $1.000000000e+00, v52;
	v24 =	vsub.f32 $0.0e+00, v50;
	v33 =	vpop (erf)  }
0x26e: {  	v34 =	vld.idx.msk [tilespmem:v8+s21+$0x0], $0xffff;
	v19 =	vor.u32 v3, v19;
	(erf) = vrcp.f32 v53;
	v55 =	vadd.f32 $1.000000000e+00, v33  }
0x26f: {  	v6 =	vld.idx.msk [tilespmem:v6+s22+$0x0], $0xffff;
	(erf) = vrcp.f32 v32;
	v24 =	vmul.f32 $1.442695020e+00, v24;
	v29 =	vsub.f32 $0.0e+00, v29  }
0x270: {  	v20 =	vsub.f32 $1.000000000e+00, v20;
	v3 =	vor.u32 v3, v30;
	v56 =	vld.idx.msk [tilespmem:v16+s21+$0x0], $0xffff;
	(erf) = vrcp.f32 v55  }
0x271: {  	v11 =	vld.idx.msk [tilespmem:v11+s22+$0x0], $0xffff;
	(erf) = vpow2.f32 v24;
	v27 =	vsub.f32 $0.0e+00, v54;
	v29 =	vmul.f32 $1.442695020e+00, v29  }
0x272: {  	v15 =	vsub.f32 $1.000000000e+00, v15;
	v14 =	vsub.f32 $1.000000000e+00, v14;
	v57 =	vld.idx.msk [tilespmem:v17+s21+$0x0], $0xffff  }
0x273: {  	v59 =	vsub.f32 $0.0e+00, v34;
	v60 =	vld.idx.msk [tilespmem:v19+s21+$0x0], $0xffff;
	v58 =	vpop (erf);
	v27 =	vmul.f32 $1.442695020e+00, v27;
	(erf) = vpow2.f32 v29  }
0x274: {  	v5 =	vld.idx.msk [tilespmem:v5+s22+$0x0], $0xffff;
	v35 =	vsub.f32 $1.000000000e+00, v21;
	v23 =	vsub.f32 $1.000000000e+00, v51;
	v20 =	vmul.f32 v31, v20;
	v61 =	vpop (erf)  }
0x275: {  	v34 =	vld.idx.msk [tilespmem:v3+s21+$0x0], $0xffff;
	v63 =	vmul.f32 $1.442695020e+00, v59;
	v62 =	vpop (erf);
	v22 =	vsub.f32 $0.0e+00, v56;
	(erf) = vpow2.f32 v27  }
0x276: {  	v45 =	vsub.f32 $1.000000000e+00, v28;
	v6 =	vmul.f32 v20, v6;
	v15 =	vmul.f32 v58, v15;
	v36 =	vpop (erf)  }
0x277: {  	v24 =	vsub.f32 $0.0e+00, v57;
	v22 =	vmul.f32 $1.442695020e+00, v22;
	v37 =	vpop (erf);
	(erf) = vpow2.f32 v63  }
0x278: {  	v10 =	vld.idx.msk [tilespmem:v10+s22+$0x0], $0xffff;
	v11 =	vmul.f32 v15, v11;
	v14 =	vmul.f32 v61, v14;
	v39 =	vsub.f32 $0.0e+00, v60;
	v38 =	vpop (erf)  }
0x279: {  	v6 =	vadd.f32 v6, v12;
	v24 =	vmul.f32 $1.442695020e+00, v24;
	v40 =	vpop (erf);
	(erf) = vpow2.f32 v22  }
0x27a: {  	v43 =	vsub.f32 $0.0e+00, v34;
	v5 =	vmul.f32 v14, v5;
	v42 =	vmul.f32 $1.442695020e+00, v39;
	v41 =	vpop (erf)  }
0x27b: {  	v9 =	vld.idx.msk [tilespmem:v9+s22+$0x0], $0xffff;
	v20 =	vmul.f32 v62, v35;
	(erf) = vpow2.f32 v24;
	v44 =	vadd.f32 $1.000000000e+00, v41  }
0x27c: {  	v6 =	vadd.f32 v11, v6;
	v29 =	vmul.f32 $1.442695020e+00, v43;
	v46 =	vpop (erf);
	(erf) = vpow2.f32 v42  }
0x27d: {  	v7 =	vld.idx.msk [tilespmem:v7+s22+$0x0], $0xffff;
	v10 =	vmul.f32 v20, v10;
	v47 =	vadd.f32 $1.000000000e+00, v46;
	(erf) = vrcp.f32 v44  }
0x27e: {  	v5 =	vadd.f32 v5, v6;
	v48 =	vmul.f32 v36, v23;
	v49 =	vpop (erf);
	(erf) = vpow2.f32 v29  }
0x27f: {  	v4 =	vld.idx.msk [tilespmem:v4+s22+$0x0], $0xffff;
	v50 =	vsub.f32 $1.000000000e+00, v52;
	v51 =	vadd.f32 $1.000000000e+00, v49;
	(erf) = vrcp.f32 v47  }
0x280: {  	v5 =	vadd.f32 v10, v5;
	v6 =	vmul.f32 v48, v9;
	v52 =	vmul.f32 v37, v45;
	v53 =	vpop (erf)  }
0x281: {  	v2 =	vld.idx.msk [tilespmem:v2+s22+$0x0], $0xffff;
	v54 =	vsub.f32 $1.000000000e+00, v33;
	v55 =	vadd.f32 $1.000000000e+00, v53;
	(erf) = vrcp.f32 v51  }
0x282: {  	v57 =	vmul.f32 v38, v50;
	v5 =	vadd.f32 v6, v5;
	v56 =	vmul.f32 v52, v7;
	v58 =	vpop (erf)  }
0x283: {  	v59 =	vadd.f32 $1.000000000e+00, v58;
	(erf) = vrcp.f32 v55  }
0x284: {  	v61 =	vld.idx.msk [tilespmem:v13+s22+$0x0], $0xffff;
	v4 =	vmul.f32 v57, v4;
	v60 =	vmul.f32 v40, v54;
	v5 =	vadd.f32 v56, v5;
	v62 =	vpop (erf)  }
0x285: {  	v63 =	vsub.f32 $1.000000000e+00, v41;
	v24 =	vadd.f32 $1.000000000e+00, v62;
	(erf) = vrcp.f32 v59;
	v26 =	vpop (erf)  }
0x286: {  	v27 =	vld.idx.msk [tilespmem:v25+s22+$0x0], $0xffff;
	v2 =	vmul.f32 v60, v2;
	v4 =	vadd.f32 v4, v5;
	v29 =	vadd.f32 $1.000000000e+00, v26;
	v30 =	vpop (erf)  }
0x287: {  	v31 =	vsub.f32 $1.000000000e+00, v46;
	(erf) = vrcp.f32 v24;
	v13 =	vmul.f32 v30, v63;
	v32 =	vpop (erf)  }
0x288: {  	v33 =	vld.idx.msk [tilespmem:v18+s22+$0x0], $0xffff;
	v2 =	vadd.f32 v2, v4;
	v34 =	vadd.f32 $1.000000000e+00, v32;
	v35 =	vpop (erf);
	(erf) = vrcp.f32 v29  }
0x289: {  	v12 =	vsub.f32 $1.000000000e+00, v49;
	v36 =	vmul.f32 v13, v61;
	v37 =	vmul.f32 v35, v31  }
0x28a: {  	v38 =	vld.idx.msk [tilespmem:v8+s22+$0x0], $0xffff;
	v10 =	vsub.f32 $1.000000000e+00, v53;
	v39 =	vpop (erf);
	(erf) = vrcp.f32 v34  }
0x28b: {  	v40 =	vmul.f32 v39, v12;
	v2 =	vadd.f32 v36, v2;
	v5 =	vmul.f32 v37, v27  }
0x28c: {  	v41 =	vld.idx.msk [tilespmem:v16+s22+$0x0], $0xffff;
	v9 =	vsub.f32 $1.000000000e+00, v58;
	v42 =	vpop (erf)  }
0x28d: {  	v43 =	vmul.f32 v42, v10;
	v4 =	vmul.f32 v40, v33;
	v2 =	vadd.f32 v5, v2  }
0x28e: {  	v44 =	vld.idx.msk [tilespmem:v17+s22+$0x0], $0xffff;
	v45 =	vsub.f32 $1.000000000e+00, v62;
	v46 =	vpop (erf)  }
0x28f: {  	v48 =	vmul.f32 v46, v9;
	v47 =	vmul.f32 v43, v38;
	v2 =	vadd.f32 v4, v2  }
0x290: {  	v49 =	vld.idx.msk [tilespmem:v19+s22+$0x0], $0xffff;
	v50 =	vsub.f32 $1.000000000e+00, v26;
	v51 =	vpop (erf)  }
0x291: {  	v52 =	vmul.f32 v48, v41;
	v53 =	vmul.f32 v51, v45;
	v2 =	vadd.f32 v47, v2  }
0x292: {  	v3 =	vld.idx.msk [tilespmem:v3+s22+$0x0], $0xffff;
	v55 =	vsub.f32 $1.000000000e+00, v32;
	v54 =	vpop (erf)  }
0x293: {  	v56 =	vmul.f32 v53, v44;
	v57 =	vmul.f32 v54, v50;
	v2 =	vadd.f32 v52, v2  }
0x294: {  	v58 =	vpop (erf)  }
0x295: {  	v59 =	vmul.f32 v57, v49;
	v60 =	vmul.f32 v58, v55;
	v2 =	vadd.f32 v56, v2;
	_ =	sdelay $0x1  }
0x296: {  	v3 =	vmul.f32 v60, v3;
	v2 =	vadd.f32 v59, v2;
	_ =	sdelay $0x1  }
0x297: {  	v2 =	vadd.f32 v3, v2;
	_ =	sdelay $0x1  }
0x298: {  	v2 =	vmul.f32 $-5.000000000e-01, v2;
	_ =	sdelay $0x1  }
0x299: {  	v2 =	vmul.f32 $1.999999960e-02, v2;
	_ =	sdelay $0x1  }
0x29a: {  	v2 =	vadd.f32 $0.0e+00, v2;
	_ =	sdelay $0x1  }
0x29b: {  	v2 =	vmul.f32 $1.442695020e+00, v2;
	_ =	sdelay $0x1  }
0x29c: {  	(erf) = vpow2.f32 v2;
	_ =	sdelay $0x3  }
0x29d: {  	v2 =	vld [tilespmem:s29+$0x10580];
	_ =	sdelay $0x4  }
0x29e: {  	v2 =	vsub.f32 $0.0e+00, v2;
	v3 =	vpop (erf)  }
0x29f: {  	v3 =	vadd.f32 $1.000000000e+00, v3  }
0x2a0: {  	v2 =	vmul.f32 $1.442695020e+00, v2  }
0x2a1: {  	(erf) = vrcp.f32 v3  }
0x2a2: {  	(erf) = vpow2.f32 v2;
	_ =	sdelay $0x3  }
0x2a3: {  	v2 =	vld [tilespmem:s29+$0x10780];
	_ =	sdelay $0x3  }
0x2a4: {  	v3 =	vpop (erf)  }
0x2a5: {  	v2 =	vsub.f32 $0.0e+00, v2;
	v61 =	vpop (erf)  }
0x2a6: {  	v4 =	vadd.f32 $1.000000000e+00, v61  }
0x2a7: {  	v2 =	vmul.f32 $1.442695020e+00, v2  }
0x2a8: {  	(erf) = vrcp.f32 v4  }
0x2a9: {  	(erf) = vpow2.f32 v2;
	_ =	sdelay $0x7  }
0x2aa: {  	v2 =	vpop (erf)  }
0x2ab: {  	v62 =	vpop (erf)  }
0x2ac: {  	v4 =	vadd.f32 $1.000000000e+00, v62;
	_ =	sdelay $0x1  }
0x2ad: {  	(erf) = vrcp.f32 v4;
	_ =	sdelay $0x7  }
0x2ae: {  	v2 =	vmul.f32 $4.000000060e-01, v2  }
0x2af: {  	v4 =	vpop (erf)  }
0x2b0: {  	s28 =	sadd.s32 $0x1, s28;
	v63 =	vsub.f32 $1.000000000e+00, v3;
	v2 =	vsub.f32 $1.000000000e+00, v2;
	v4 =	vmul.f32 $4.000000060e-01, v4  }
0x2b1: {  	p0 =	sne.s32 s28, $0x8  }
.Ltmp7:
0x2b2: {  	v2 =	vmul.f32 v2, v3;
	v3 =	vmul.f32 v4, v63;
	(pc) =	sbr.rel @p0 .LBB2_14-.Ltmp7, $3  }
0x2b3: {  	_ = 	snop  }
0x2b4: {  	v2 =	vadd.f32 v3, v2;
	_ =	sdelay $0x1  }
0x2b5: {  	[tilespmem:s29+$0x10980] =	vst v2  }
0x2b6: {  	s30 =	sadd.s32 $0x1, s30  }
0x2b7: {  	p0 =	sne.s32 s30, s19  }
.Ltmp8:
0x2b8: {  	s3 =	simm.s32 $0x10800;
	(pc) =	sbr.rel @p0 .LBB2_1-.Ltmp8, $4  }
0x2b9: {  	[hbm4b:s18+s4] =	stream.linear.scatter [tilespmem:s3], [sflag:$0x4], $0x200, $0x38;
	[tilespmem:$0x10A00] =	vst v63  }
0x2ba: {  	_ =	swait.ge [sflag:s20], $0x200  }
0x2bb: {  	[sflag:s20] =	ssyncset.done $0x0  }
0x2bc: {  	[sflag:s20] =	ssyncadd.s32 $0xFFFFFE00  }
0x2bd: {  	_ =	sfence.sel $0x180000  }
0x2be: {  	[bflag:$0x0] =	sbarrier.arrive $0xFFFF  }
0x2bf: {  	_ =	strace $0x90000047  }
0x2c0: {  	s0 =	stileid.u32;
	[bflag:$0x2] =	sbarrier.arrive $0xFFFF  }
0x2c1: {  	p0 =	sne.s32 s0, $0x0;
	s0 =	rddreg [dreg:$0x6]  }
0x2c2: {  	s0 =	sadd.s32 @!p0 $0x100000, s0  }
0x2c3: {  	[sflag:s0] =	ssyncadd.tile.s32 @!p0 $0x1;
	_ =	shalt  }
.Lfunc_end2:
_tile_overlayer_lowered:
.L_overlay_start_2:
0x2c4: {  	(tag) =	ssettag $0x2  }
0x2c5: {  	s0 =	rddreg [dreg:$0x0];
	s2 =	stileid.u32  }
0x2c6: {  	s1 =	rddreg [dreg:$0x1];
	p0 =	sne.s32 s2, $0x0  }
0x2c7: {  	s3 =	rddreg [dreg:$0x2];
	[bflag:$0x3] =	sbarrier.arrive $0xFFFF;
	s2 =	simm.s32 @!p0 $0x1C04  }
0x2c8: {  	[timem:s3], [sflag:s2] =	dma.local @!p0 [hbm:s0], s1  }
0x2c9: {  	s0 =	simm.s32 @!p0 $0x4  }
0x2ca: {  	_ =	swait.ge @!p0 [sflag:s0], s1  }
0x2cb: {  	s1 =	ssub.s32 @!p0 $0x0, s1;
	[sflag:s0] =	ssyncset.done @!p0 $0x0  }
0x2cc: {  	[sflag:s0] =	ssyncadd.s32 @!p0 s1  }
0x2cd: {  	[bflag:$0x3] =	sbarrier.arrive $0xFFFF  }
0x2ce: {  	_ =	shalt  }

</sc_bundles>
